<compile_context>
chip_gen: v7x
topology: tpu7x:2x2x1
jax: 0.10.2.dev20260603
libtpu: 0.0.44.dev20260713+nightly
codegen_flags: <defaults>
</compile_context>

<pallas_src>
import jax
import jax.numpy as jnp
from jax import lax
from jax.experimental import pallas as pl
from jax.experimental.pallas import tpu as pltpu
from jax.experimental.pallas import tpu_sc as plsc

B, S, D, K = 16, 4096, 128, 10
KP = 16
NC, NSC = 2, 16
BPC = B // NC
S_SC = 1024
ROWS_W = S_SC // 2
CH = 128
NT = ROWS_W // CH
NBUF = 4
RPC = BPC * KP
S_TC = S - S_SC


def _sc_body(x_hbm, lab_hbm, zeros_hbm, seg_hbm,
             xb, lab_v, idx_v, acc, lsem, ssem):
    c = lax.axis_index("c")
    s = lax.axis_index("s")
    bl = s // 2
    half = s % 2
    batch = c * BPC + bl
    row0 = half * ROWS_W

    @pl.when(s == 0)
    def _():
        pltpu.sync_copy(zeros_hbm, acc)

    pltpu.sync_copy(lab_hbm.at[batch, pl.ds(row0, ROWS_W)], lab_v)

    base = bl * KP
    for t in range(NT):
        for i in range(CH // 16):
            l16 = lab_v[pl.ds(t * CH + i * 16, 16)]
            idx_v[t, pl.ds(i * 16, 16)] = l16 + base

    plsc.subcore_barrier()

    loads = [None] * NT
    scats = [None] * NT
    for t in range(NBUF):
        loads[t] = pltpu.async_copy(
            x_hbm.at[batch, pl.ds(row0 + t * CH, CH)], xb.at[t], lsem.at[t])
    for t in range(NT):
        b = t % NBUF
        loads[t].wait()
        scats[t] = pltpu.async_copy(
            xb.at[b], acc.at[idx_v.at[t]], ssem.at[b], add=True)
        nxt = t + NBUF
        if nxt < NT:
            scats[t].wait()
            loads[nxt] = pltpu.async_copy(
                x_hbm.at[batch, pl.ds(row0 + nxt * CH, CH)], xb.at[b],
                lsem.at[b])
    for t in range(max(0, NT - NBUF), NT):
        scats[t].wait()

    plsc.subcore_barrier()

    @pl.when(s == 0)
    def _():
        pltpu.sync_copy(acc, seg_hbm.at[pl.ds(c * RPC, RPC)])


def _segment_sums_sc(x, lab, zeros):
    mesh = plsc.VectorSubcoreMesh(core_axis_name="c", subcore_axis_name="s")
    return pl.kernel(
        _sc_body,
        out_type=jax.ShapeDtypeStruct((NC * RPC, D), jnp.float32),
        mesh=mesh,
        scratch_types=[
            pltpu.VMEM((NBUF, CH, D), jnp.float32),
            pltpu.VMEM((ROWS_W,), jnp.int32),
            pltpu.VMEM((NT, CH), jnp.int32),
            pltpu.VMEM_SHARED((RPC, D), jnp.float32),
            pltpu.SemaphoreType.DMA((NBUF,)),
            pltpu.SemaphoreType.DMA((NBUF,)),
        ],
    )(x, lab, zeros)


TS = 1024
NJ = S // TS
JSC = S_SC // TS


def _partial_body(x_ref, lab_ref, seg_ref, cnt_ref):
    j = pl.program_id(1)
    lab = lab_ref[0, 0, :]
    ks = jax.lax.broadcasted_iota(jnp.int32, (KP, TS), 0)
    oh = (ks == lab[None, :]).astype(jnp.float32)
    cnt = jnp.sum(oh, axis=1, keepdims=True) * jnp.ones((1, D), jnp.float32)

    @pl.when(j == 0)
    def _():
        seg_ref[0] = jnp.zeros((KP, D), jnp.float32)
        cnt_ref[0] = jnp.zeros((KP, D), jnp.float32)

    cnt_ref[0] += cnt

    @pl.when(j >= JSC)
    def _():
        seg_ref[0] += jnp.dot(oh, x_ref[0], preferred_element_type=jnp.float32)


def _partials_tc(x, lab3):
    return pl.pallas_call(
        _partial_body,
        grid=(B, NJ),
        in_specs=[
            pl.BlockSpec((1, TS, D), lambda b, j: (b, jnp.maximum(j, JSC), 0)),
            pl.BlockSpec((1, 1, TS), lambda b, j: (b, 0, j)),
        ],
        out_specs=[
            pl.BlockSpec((1, KP, D), lambda b, j: (b, 0, 0)),
            pl.BlockSpec((1, KP, D), lambda b, j: (b, 0, 0)),
        ],
        out_shape=[
            jax.ShapeDtypeStruct((B, KP, D), jnp.float32),
            jax.ShapeDtypeStruct((B, KP, D), jnp.float32),
        ],
    )(x, lab3)


def _head_body(sa_ref, sb_ref, cnt_ref, Wm1, bm1, Wm2, bm2, Wm3, bm3,
               Wv1, bv1, Wv2, bv2, Wv3, bv3, out_ref):
    seg = sa_ref[...].reshape(B * KP, D) + sb_ref[...].reshape(B * KP, D)
    cnt = cnt_ref[...].reshape(B * KP, D)
    cc = seg / jnp.maximum(cnt, 1e-30)

    def mlp(h, W1, b1, W2, b2, W3, b3):
        h = jax.nn.relu(jnp.dot(h, W1[...], preferred_element_type=jnp.float32) + b1[...])
        h = jax.nn.relu(jnp.dot(h, W2[...], preferred_element_type=jnp.float32) + b2[...])
        h = jax.nn.sigmoid(jnp.dot(h, W3[...], preferred_element_type=jnp.float32) + b3[...])
        return h * 2.0 - 1.0

    out_ref[0] = mlp(cc, Wm1, bm1, Wm2, bm2, Wm3, bm3).reshape(B, KP, D)[:, :K, :]
    out_ref[1] = mlp(cc, Wv1, bv1, Wv2, bv2, Wv3, bv3).reshape(B, KP, D)[:, :K, :]


def _heads_tc(seg_sc, seg_tc, cnt, *wb):
    return pl.pallas_call(
        _head_body,
        out_shape=jax.ShapeDtypeStruct((2, B, K, D), jnp.float32),
    )(seg_sc, seg_tc, cnt, *wb)


@jax.jit
def _run(x, labels, Wm1, bm1, Wm2, bm2, Wm3, bm3,
         Wv1, bv1, Wv2, bv2, Wv3, bv3):
    lab = labels.astype(jnp.int32)
    zeros = jnp.zeros((RPC, D), jnp.float32)
    seg_sc = _segment_sums_sc(x, lab, zeros)
    seg_tc, cnt = _partials_tc(x, lab.reshape(B, 1, S))
    return _heads_tc(seg_sc.reshape(B, KP, D), seg_tc, cnt,
                     Wm1, bm1, Wm2, bm2, Wm3, bm3,
                     Wv1, bv1, Wv2, bv2, Wv3, bv3)


def kernel(x, labels, Wm1, bm1, Wm2, bm2, Wm3, bm3,
           Wv1, bv1, Wv2, bv2, Wv3, bv3):
    return _run(x, labels, Wm1, bm1, Wm2, bm2, Wm3, bm3,
                Wv1, bv1, Wv2, bv2, Wv3, bv3)

# --- scband reference (transcript-rebuilt; emitter-appended) ---
"""Pipeline reference for scband-gaussian-kmeans-77524159693493 (READ-ONLY COPY).

The authoritative reference and input builder live on the scoring server;
editing this copy changes nothing except your own understanding.
"""

import jax, jax.numpy as jnp
import numpy as np

B, S, D, K = 16, 4096, 128, 10

def _mlp3_sigmoid(h, W1, b1, W2, b2, W3, b3):
    h = jax.nn.relu(h @ W1 + b1)
    h = jax.nn.relu(h @ W2 + b2)
    return jax.nn.sigmoid(h @ W3 + b3)

def setup_inputs(seed: int = 0) -> dict:
    key = jax.random.key(seed)
    ks = jax.random.split(key, 16)
    x = jax.random.normal(ks[0], (B, S, D), dtype=jnp.float32)
    labels = jax.random.randint(ks[1], (B, S), 0, K, dtype=jnp.int64)
    s = 1.0 / np.sqrt(D)
    inp = {"x": x, "labels": labels}
    names = ["Wm1", "bm1", "Wm2", "bm2", "Wm3", "bm3", "Wv1", "bv1", "Wv2", "bv2", "Wv3", "bv3"]
    for i, n in enumerate(names):
        k = ks[2 + i]
        if n.startswith("W"):
            inp[n] = jax.random.normal(k, (D, D), dtype=jnp.float32) * s
        else:
            inp[n] = jnp.zeros((D,), dtype=jnp.float32)
    return inp

def reference(x, labels, Wm1, bm1, Wm2, bm2, Wm3, bm3, Wv1, bv1, Wv2, bv2, Wv3, bv3):
    # segment-reduce: per-batch cluster-center computation (sum of features per
    # cluster label / count per label), equivalent to the masked einsum + sum in
    # GaussianKmeans.init_unit (encoder path with precomputed cluster labels).
    seg_sum = jax.vmap(lambda xb, lb: jax.ops.segment_sum(xb, lb, num_segments=K))(x, labels)
    seg_cnt = jax.vmap(lambda lb: jax.ops.segment_sum(jnp.ones((lb.shape[0],), dtype=jnp.float32), lb, num_segments=K))(labels)
    cc = seg_sum / seg_cnt[..., None]  # [B, K, D]
    slots = cc  # version == 'direct': slot_init is identity
    mean = _mlp3_sigmoid(slots, Wm1, bm1, Wm2, bm2, Wm3, bm3) * 2.0 - 1.0
    logvar = _mlp3_sigmoid(slots, Wv1, bv1, Wv2, bv2, Wv3, bv3) * 2.0 - 1.0
    return jnp.stack([mean, logvar], axis=0)  # [2, B, K, D]

if __name__ == "__main__":
    import jax
    _d = setup_inputs()
    print(jax.jit(kernel)(*tuple(_d.values())))

</pallas_src>

<mosaic_0001>
#map = affine_map<(d0, d1) -> (0, 0, 0)>
#map1 = affine_map<(d0, d1) -> (0, 0)>
module attributes {stable_mosaic.version = 14 : i64} {
  func.func @_sc_body(%arg0: i32, %arg1: i32, %arg2: memref<16x4096x128xf32, #tpu.memory_space<hbm>>, %arg3: memref<16x4096xi32, #tpu.memory_space<hbm>>, %arg4: memref<128x128xf32, #tpu.memory_space<hbm>>, %arg5: memref<256x128xf32, #tpu.memory_space<hbm>>, %arg6: memref<4x128x128xf32, #tpu.memory_space<vmem>>, %arg7: memref<512xi32, #tpu.memory_space<vmem>>, %arg8: memref<4x128xi32, #tpu.memory_space<vmem>>, %arg9: memref<128x128xf32, #tpu.memory_space<vmem_shared>>, %arg10: memref<4x!tpu.dma_semaphore, #tpu.memory_space<semaphore_mem>>, %arg11: memref<4x!tpu.dma_semaphore, #tpu.memory_space<semaphore_mem>>) attributes {dimension_semantics = [#tpu.dimension_semantics<core_parallel>, #tpu.dimension_semantics<subcore_parallel>], iteration_bounds = array<i64: 2, 16>, scalar_prefetch = 0 : i64, scratch_operands = 6 : i64, tpu.core_type = #tpu.core_type<sc_vector_subcore>, window_params = [{transform_indices = #map}, {transform_indices = #map1}, {transform_indices = #map1}, {transform_indices = #map1}]} {
    %jit3A = arith.constant 2 : i32
    %div3A = arith.divsi %arg1, %jit3A : i32
    %sign3A = arith.constant 0 : i32
    %sign3A_0 = arith.cmpi sgt, %arg1, %sign3A : i32
    %sign3A_1 = arith.extui %sign3A_0 : i1 to i32
    %sign3A_2 = arith.constant 0 : i32
    %sign3A_3 = arith.cmpi slt, %arg1, %sign3A_2 : i32
    %sign3A_4 = arith.extui %sign3A_3 : i1 to i32
    %sign3A_5 = arith.subi %sign3A_1, %sign3A_4 : i32
    %sign3A_6 = arith.constant 0 : i32
    %sign3A_7 = arith.cmpi sgt, %jit3A, %sign3A_6 : i32
    %sign3A_8 = arith.extui %sign3A_7 : i1 to i32
    %sign3A_9 = arith.constant 0 : i32
    %sign3A_10 = arith.cmpi slt, %jit3A, %sign3A_9 : i32
    %sign3A_11 = arith.extui %sign3A_10 : i1 to i32
    %sign3A_12 = arith.subi %sign3A_8, %sign3A_11 : i32
    %ne3A = arith.cmpi ne, %sign3A_5, %sign3A_12 : i32
    %rem3A = arith.remsi %arg1, %jit3A : i32
    %ne3A_13 = arith.constant 0 : i32
    %ne3A_14 = arith.cmpi ne, %rem3A, %ne3A_13 : i32
    %and3A = arith.andi %ne3A, %ne3A_14 : i1
    %sub3A = arith.constant 1 : i32
    %sub3A_15 = arith.subi %div3A, %sub3A : i32
    %select_n3A = arith.select %and3A, %sub3A_15, %div3A : i32
    %jit3A_16 = arith.constant 2 : i32
    %eq3A = arith.constant 0 : i32
    %eq3A_17 = arith.cmpi eq, %jit3A_16, %eq3A : i32
    %jit3A_18 = arith.constant 1 : i32
    %select_n3A_19 = arith.select %eq3A_17, %jit3A_18, %jit3A_16 : i32
    %rem3A_20 = arith.remsi %arg1, %select_n3A_19 : i32
    %ne3A_21 = arith.constant 0 : i32
    %ne3A_22 = arith.cmpi ne, %rem3A_20, %ne3A_21 : i32
    %lt3A = arith.constant 0 : i32
    %lt3A_23 = arith.cmpi slt, %rem3A_20, %lt3A : i32
    %lt3A_24 = arith.constant 0 : i32
    %lt3A_25 = arith.cmpi slt, %select_n3A_19, %lt3A_24 : i32
    %ne3A_26 = arith.xori %lt3A_23, %lt3A_25 : i1
    %and3A_27 = arith.andi %ne3A_26, %ne3A_22 : i1
    %add3A = arith.addi %rem3A_20, %select_n3A_19 : i32
    %select_n3A_28 = arith.select %and3A_27, %add3A, %rem3A_20 : i32
    %mul3A = arith.constant 8 : i32
    %mul3A_29 = arith.muli %arg0, %mul3A : i32
    %add3A_30 = arith.addi %mul3A_29, %select_n3A : i32
    %mul3A_31 = arith.constant 512 : i32
    %mul3A_32 = arith.muli %select_n3A_28, %mul3A_31 : i32
    %eq3A_33 = arith.constant 0 : i32
    %eq3A_34 = arith.cmpi eq, %arg1, %eq3A_33 : i32
    %convert_element_type3A = arith.extui %eq3A_34 : i1 to i32
    %cond3A = arith.constant 0 : i32
    %cond3A_35 = arith.cmpi ne, %convert_element_type3A, %cond3A : i32
    scf.if %cond3A_35 {
      "tpu.region"() ({
        %run_scoped3A = tpu.sem_alloc : memref<!tpu.dma_semaphore, #tpu.memory_space<semaphore_mem>>
        tpu.enqueue_dma source(%arg4 : memref<128x128xf32, #tpu.memory_space<hbm>>) target(%arg9 : memref<128x128xf32, #tpu.memory_space<vmem_shared>>) target_semaphore(%run_scoped3A : memref<!tpu.dma_semaphore, #tpu.memory_space<semaphore_mem>>)
        tpu.wait_dma2 semaphore(%run_scoped3A : memref<!tpu.dma_semaphore, #tpu.memory_space<semaphore_mem>>) src(%arg4 : memref<128x128xf32, #tpu.memory_space<hbm>>) dst(%arg9 : memref<128x128xf32, #tpu.memory_space<vmem_shared>>)
        tpu.yield
      }) : () -> ()
    } else {
    }
    "tpu.region"() ({
      %run_scoped3A = tpu.sem_alloc : memref<!tpu.dma_semaphore, #tpu.memory_space<semaphore_mem>>
      %dma_start3A_664 = tpu.memref_slice %arg3[%add3A_30, %mul3A_32] : memref<16x4096xi32, #tpu.memory_space<hbm>> -> memref<1x512xi32, #tpu.memory_space<hbm>>
      %dma_start3A_665 = tpu.memref_squeeze %dma_start3A_664 : memref<1x512xi32, #tpu.memory_space<hbm>> -> memref<512xi32, #tpu.memory_space<hbm>>
      %dma_start3A_666 = tpu.memref_slice %arg3[%add3A_30, %mul3A_32] : memref<16x4096xi32, #tpu.memory_space<hbm>> -> memref<1x512xi32, #tpu.memory_space<hbm>>
      %dma_start3A_667 = tpu.memref_squeeze %dma_start3A_666 : memref<1x512xi32, #tpu.memory_space<hbm>> -> memref<512xi32, #tpu.memory_space<hbm>>
      tpu.enqueue_dma source(%dma_start3A_667 : memref<512xi32, #tpu.memory_space<hbm>>) target(%arg7 : memref<512xi32, #tpu.memory_space<vmem>>) target_semaphore(%run_scoped3A : memref<!tpu.dma_semaphore, #tpu.memory_space<semaphore_mem>>)
      %dma_wait3A_668 = tpu.memref_slice %arg3[%add3A_30, %mul3A_32] : memref<16x4096xi32, #tpu.memory_space<hbm>> -> memref<1x512xi32, #tpu.memory_space<hbm>>
      %dma_wait3A_669 = tpu.memref_squeeze %dma_wait3A_668 : memref<1x512xi32, #tpu.memory_space<hbm>> -> memref<512xi32, #tpu.memory_space<hbm>>
      %dma_wait3A_670 = tpu.memref_slice %arg3[%add3A_30, %mul3A_32] : memref<16x4096xi32, #tpu.memory_space<hbm>> -> memref<1x512xi32, #tpu.memory_space<hbm>>
      %dma_wait3A_671 = tpu.memref_squeeze %dma_wait3A_670 : memref<1x512xi32, #tpu.memory_space<hbm>> -> memref<512xi32, #tpu.memory_space<hbm>>
      tpu.wait_dma2 semaphore(%run_scoped3A : memref<!tpu.dma_semaphore, #tpu.memory_space<semaphore_mem>>) src(%dma_wait3A_671 : memref<512xi32, #tpu.memory_space<hbm>>) dst(%arg7 : memref<512xi32, #tpu.memory_space<vmem>>)
      tpu.yield
    }) : () -> ()
    %mul3A_36 = arith.constant 16 : i32
    %mul3A_37 = arith.muli %select_n3A, %mul3A_36 : i32
    %get3A = arith.constant 0 : index
    %get3A_38 = tpu.vector_load %arg7[%get3A] {strides = array<i32>} : memref<512xi32, #tpu.memory_space<vmem>>, vector<16xi32>,
    %get3A_39 = vector.shape_cast %get3A_38 : vector<16xi32> to vector<16xi32>
    %add3A_40 = vector.broadcast %mul3A_37 : i32 to vector<16xi32>
    %add3A_41 = arith.addi %get3A_39, %add3A_40 : vector<16xi32>
    %swap3A = arith.constant 0 : i32
    %swap3A_42 = arith.index_cast %swap3A : i32 to index
    %swap3A_43 = arith.constant 0 : index
    %swap3A_44 = tpu.vector_load %arg8[%swap3A_42, %swap3A_43] {strides = array<i32>} : memref<4x128xi32, #tpu.memory_space<vmem>>, vector<1x16xi32>,
    %swap3A_45 = vector.shape_cast %swap3A_44 : vector<1x16xi32> to vector<16xi32>
    %swap3A_46 = vector.shape_cast %add3A_41 : vector<16xi32> to vector<1x16xi32>
    tpu.vector_store %arg8[%swap3A_42, %swap3A_43], %swap3A_46 {strides = array<i32>} : memref<4x128xi32, #tpu.memory_space<vmem>>, vector<1x16xi32>,
    %get3A_47 = arith.constant 16 : index
    %get3A_48 = tpu.vector_load %arg7[%get3A_47] {strides = array<i32>} : memref<512xi32, #tpu.memory_space<vmem>>, vector<16xi32>,
    %get3A_49 = vector.shape_cast %get3A_48 : vector<16xi32> to vector<16xi32>
    %add3A_50 = vector.broadcast %mul3A_37 : i32 to vector<16xi32>
    %add3A_51 = arith.addi %get3A_49, %add3A_50 : vector<16xi32>
    %swap3A_52 = arith.constant 0 : i32
    %swap3A_53 = arith.index_cast %swap3A_52 : i32 to index
    %swap3A_54 = arith.constant 16 : index
    %swap3A_55 = tpu.vector_load %arg8[%swap3A_53, %swap3A_54] {strides = array<i32>} : memref<4x128xi32, #tpu.memory_space<vmem>>, vector<1x16xi32>,
    %swap3A_56 = vector.shape_cast %swap3A_55 : vector<1x16xi32> to vector<16xi32>
    %swap3A_57 = vector.shape_cast %add3A_51 : vector<16xi32> to vector<1x16xi32>
    tpu.vector_store %arg8[%swap3A_53, %swap3A_54], %swap3A_57 {strides = array<i32>} : memref<4x128xi32, #tpu.memory_space<vmem>>, vector<1x16xi32>,
    %get3A_58 = arith.constant 32 : index
    %get3A_59 = tpu.vector_load %arg7[%get3A_58] {strides = array<i32>} : memref<512xi32, #tpu.memory_space<vmem>>, vector<16xi32>,
    %get3A_60 = vector.shape_cast %get3A_59 : vector<16xi32> to vector<16xi32>
    %add3A_61 = vector.broadcast %mul3A_37 : i32 to vector<16xi32>
    %add3A_62 = arith.addi %get3A_60, %add3A_61 : vector<16xi32>
    %swap3A_63 = arith.constant 0 : i32
    %swap3A_64 = arith.index_cast %swap3A_63 : i32 to index
    %swap3A_65 = arith.constant 32 : index
    %swap3A_66 = tpu.vector_load %arg8[%swap3A_64, %swap3A_65] {strides = array<i32>} : memref<4x128xi32, #tpu.memory_space<vmem>>, vector<1x16xi32>,
    %swap3A_67 = vector.shape_cast %swap3A_66 : vector<1x16xi32> to vector<16xi32>
    %swap3A_68 = vector.shape_cast %add3A_62 : vector<16xi32> to vector<1x16xi32>
    tpu.vector_store %arg8[%swap3A_64, %swap3A_65], %swap3A_68 {strides = array<i32>} : memref<4x128xi32, #tpu.memory_space<vmem>>, vector<1x16xi32>,
    %get3A_69 = arith.constant 48 : index
    %get3A_70 = tpu.vector_load %arg7[%get3A_69] {strides = array<i32>} : memref<512xi32, #tpu.memory_space<vmem>>, vector<16xi32>,
    %get3A_71 = vector.shape_cast %get3A_70 : vector<16xi32> to vector<16xi32>
    %add3A_72 = vector.broadcast %mul3A_37 : i32 to vector<16xi32>
    %add3A_73 = arith.addi %get3A_71, %add3A_72 : vector<16xi32>
    %swap3A_74 = arith.constant 0 : i32
    %swap3A_75 = arith.index_cast %swap3A_74 : i32 to index
    %swap3A_76 = arith.constant 48 : index
    %swap3A_77 = tpu.vector_load %arg8[%swap3A_75, %swap3A_76] {strides = array<i32>} : memref<4x128xi32, #tpu.memory_space<vmem>>, vector<1x16xi32>,
    %swap3A_78 = vector.shape_cast %swap3A_77 : vector<1x16xi32> to vector<16xi32>
    %swap3A_79 = vector.shape_cast %add3A_73 : vector<16xi32> to vector<1x16xi32>
    tpu.vector_store %arg8[%swap3A_75, %swap3A_76], %swap3A_79 {strides = array<i32>} : memref<4x128xi32, #tpu.memory_space<vmem>>, vector<1x16xi32>,
    %get3A_80 = arith.constant 64 : index
    %get3A_81 = tpu.vector_load %arg7[%get3A_80] {strides = array<i32>} : memref<512xi32, #tpu.memory_space<vmem>>, vector<16xi32>,
    %get3A_82 = vector.shape_cast %get3A_81 : vector<16xi32> to vector<16xi32>
    %add3A_83 = vector.broadcast %mul3A_37 : i32 to vector<16xi32>
    %add3A_84 = arith.addi %get3A_82, %add3A_83 : vector<16xi32>
    %swap3A_85 = arith.constant 0 : i32
    %swap3A_86 = arith.index_cast %swap3A_85 : i32 to index
    %swap3A_87 = arith.constant 64 : index
    %swap3A_88 = tpu.vector_load %arg8[%swap3A_86, %swap3A_87] {strides = array<i32>} : memref<4x128xi32, #tpu.memory_space<vmem>>, vector<1x16xi32>,
    %swap3A_89 = vector.shape_cast %swap3A_88 : vector<1x16xi32> to vector<16xi32>
    %swap3A_90 = vector.shape_cast %add3A_84 : vector<16xi32> to vector<1x16xi32>
    tpu.vector_store %arg8[%swap3A_86, %swap3A_87], %swap3A_90 {strides = array<i32>} : memref<4x128xi32, #tpu.memory_space<vmem>>, vector<1x16xi32>,
    %get3A_91 = arith.constant 80 : index
    %get3A_92 = tpu.vector_load %arg7[%get3A_91] {strides = array<i32>} : memref<512xi32, #tpu.memory_space<vmem>>, vector<16xi32>,
    %get3A_93 = vector.shape_cast %get3A_92 : vector<16xi32> to vector<16xi32>
    %add3A_94 = vector.broadcast %mul3A_37 : i32 to vector<16xi32>
    %add3A_95 = arith.addi %get3A_93, %add3A_94 : vector<16xi32>
    %swap3A_96 = arith.constant 0 : i32
    %swap3A_97 = arith.index_cast %swap3A_96 : i32 to index
    %swap3A_98 = arith.constant 80 : index
    %swap3A_99 = tpu.vector_load %arg8[%swap3A_97, %swap3A_98] {strides = array<i32>} : memref<4x128xi32, #tpu.memory_space<vmem>>, vector<1x16xi32>,
    %swap3A_100 = vector.shape_cast %swap3A_99 : vector<1x16xi32> to vector<16xi32>
    %swap3A_101 = vector.shape_cast %add3A_95 : vector<16xi32> to vector<1x16xi32>
    tpu.vector_store %arg8[%swap3A_97, %swap3A_98], %swap3A_101 {strides = array<i32>} : memref<4x128xi32, #tpu.memory_space<vmem>>, vector<1x16xi32>,
    %get3A_102 = arith.constant 96 : index
    %get3A_103 = tpu.vector_load %arg7[%get3A_102] {strides = array<i32>} : memref<512xi32, #tpu.memory_space<vmem>>, vector<16xi32>,
    %get3A_104 = vector.shape_cast %get3A_103 : vector<16xi32> to vector<16xi32>
    %add3A_105 = vector.broadcast %mul3A_37 : i32 to vector<16xi32>
    %add3A_106 = arith.addi %get3A_104, %add3A_105 : vector<16xi32>
    %swap3A_107 = arith.constant 0 : i32
    %swap3A_108 = arith.index_cast %swap3A_107 : i32 to index
    %swap3A_109 = arith.constant 96 : index
    %swap3A_110 = tpu.vector_load %arg8[%swap3A_108, %swap3A_109] {strides = array<i32>} : memref<4x128xi32, #tpu.memory_space<vmem>>, vector<1x16xi32>,
    %swap3A_111 = vector.shape_cast %swap3A_110 : vector<1x16xi32> to vector<16xi32>
    %swap3A_112 = vector.shape_cast %add3A_106 : vector<16xi32> to vector<1x16xi32>
    tpu.vector_store %arg8[%swap3A_108, %swap3A_109], %swap3A_112 {strides = array<i32>} : memref<4x128xi32, #tpu.memory_space<vmem>>, vector<1x16xi32>,
    %get3A_113 = arith.constant 112 : index
    %get3A_114 = tpu.vector_load %arg7[%get3A_113] {strides = array<i32>} : memref<512xi32, #tpu.memory_space<vmem>>, vector<16xi32>,
    %get3A_115 = vector.shape_cast %get3A_114 : vector<16xi32> to vector<16xi32>
    %add3A_116 = vector.broadcast %mul3A_37 : i32 to vector<16xi32>
    %add3A_117 = arith.addi %get3A_115, %add3A_116 : vector<16xi32>
    %swap3A_118 = arith.constant 0 : i32
    %swap3A_119 = arith.index_cast %swap3A_118 : i32 to index
    %swap3A_120 = arith.constant 112 : index
    %swap3A_121 = tpu.vector_load %arg8[%swap3A_119, %swap3A_120] {strides = array<i32>} : memref<4x128xi32, #tpu.memory_space<vmem>>, vector<1x16xi32>,
    %swap3A_122 = vector.shape_cast %swap3A_121 : vector<1x16xi32> to vector<16xi32>
    %swap3A_123 = vector.shape_cast %add3A_117 : vector<16xi32> to vector<1x16xi32>
    tpu.vector_store %arg8[%swap3A_119, %swap3A_120], %swap3A_123 {strides = array<i32>} : memref<4x128xi32, #tpu.memory_space<vmem>>, vector<1x16xi32>,
    %get3A_124 = arith.constant 128 : index
    %get3A_125 = tpu.vector_load %arg7[%get3A_124] {strides = array<i32>} : memref<512xi32, #tpu.memory_space<vmem>>, vector<16xi32>,
    %get3A_126 = vector.shape_cast %get3A_125 : vector<16xi32> to vector<16xi32>
    %add3A_127 = vector.broadcast %mul3A_37 : i32 to vector<16xi32>
    %add3A_128 = arith.addi %get3A_126, %add3A_127 : vector<16xi32>
    %swap3A_129 = arith.constant 1 : i32
    %swap3A_130 = arith.index_cast %swap3A_129 : i32 to index
    %swap3A_131 = arith.constant 0 : index
    %swap3A_132 = tpu.vector_load %arg8[%swap3A_130, %swap3A_131] {strides = array<i32>} : memref<4x128xi32, #tpu.memory_space<vmem>>, vector<1x16xi32>,
    %swap3A_133 = vector.shape_cast %swap3A_132 : vector<1x16xi32> to vector<16xi32>
    %swap3A_134 = vector.shape_cast %add3A_128 : vector<16xi32> to vector<1x16xi32>
    tpu.vector_store %arg8[%swap3A_130, %swap3A_131], %swap3A_134 {strides = array<i32>} : memref<4x128xi32, #tpu.memory_space<vmem>>, vector<1x16xi32>,
    %get3A_135 = arith.constant 144 : index
    %get3A_136 = tpu.vector_load %arg7[%get3A_135] {strides = array<i32>} : memref<512xi32, #tpu.memory_space<vmem>>, vector<16xi32>,
    %get3A_137 = vector.shape_cast %get3A_136 : vector<16xi32> to vector<16xi32>
    %add3A_138 = vector.broadcast %mul3A_37 : i32 to vector<16xi32>
    %add3A_139 = arith.addi %get3A_137, %add3A_138 : vector<16xi32>
    %swap3A_140 = arith.constant 1 : i32
    %swap3A_141 = arith.index_cast %swap3A_140 : i32 to index
    %swap3A_142 = arith.constant 16 : index
    %swap3A_143 = tpu.vector_load %arg8[%swap3A_141, %swap3A_142] {strides = array<i32>} : memref<4x128xi32, #tpu.memory_space<vmem>>, vector<1x16xi32>,
    %swap3A_144 = vector.shape_cast %swap3A_143 : vector<1x16xi32> to vector<16xi32>
    %swap3A_145 = vector.shape_cast %add3A_139 : vector<16xi32> to vector<1x16xi32>
    tpu.vector_store %arg8[%swap3A_141, %swap3A_142], %swap3A_145 {strides = array<i32>} : memref<4x128xi32, #tpu.memory_space<vmem>>, vector<1x16xi32>,
    %get3A_146 = arith.constant 160 : index
    %get3A_147 = tpu.vector_load %arg7[%get3A_146] {strides = array<i32>} : memref<512xi32, #tpu.memory_space<vmem>>, vector<16xi32>,
    %get3A_148 = vector.shape_cast %get3A_147 : vector<16xi32> to vector<16xi32>
    %add3A_149 = vector.broadcast %mul3A_37 : i32 to vector<16xi32>
    %add3A_150 = arith.addi %get3A_148, %add3A_149 : vector<16xi32>
    %swap3A_151 = arith.constant 1 : i32
    %swap3A_152 = arith.index_cast %swap3A_151 : i32 to index
    %swap3A_153 = arith.constant 32 : index
    %swap3A_154 = tpu.vector_load %arg8[%swap3A_152, %swap3A_153] {strides = array<i32>} : memref<4x128xi32, #tpu.memory_space<vmem>>, vector<1x16xi32>,
    %swap3A_155 = vector.shape_cast %swap3A_154 : vector<1x16xi32> to vector<16xi32>
    %swap3A_156 = vector.shape_cast %add3A_150 : vector<16xi32> to vector<1x16xi32>
    tpu.vector_store %arg8[%swap3A_152, %swap3A_153], %swap3A_156 {strides = array<i32>} : memref<4x128xi32, #tpu.memory_space<vmem>>, vector<1x16xi32>,
    %get3A_157 = arith.constant 176 : index
    %get3A_158 = tpu.vector_load %arg7[%get3A_157] {strides = array<i32>} : memref<512xi32, #tpu.memory_space<vmem>>, vector<16xi32>,
    %get3A_159 = vector.shape_cast %get3A_158 : vector<16xi32> to vector<16xi32>
    %add3A_160 = vector.broadcast %mul3A_37 : i32 to vector<16xi32>
    %add3A_161 = arith.addi %get3A_159, %add3A_160 : vector<16xi32>
    %swap3A_162 = arith.constant 1 : i32
    %swap3A_163 = arith.index_cast %swap3A_162 : i32 to index
    %swap3A_164 = arith.constant 48 : index
    %swap3A_165 = tpu.vector_load %arg8[%swap3A_163, %swap3A_164] {strides = array<i32>} : memref<4x128xi32, #tpu.memory_space<vmem>>, vector<1x16xi32>,
    %swap3A_166 = vector.shape_cast %swap3A_165 : vector<1x16xi32> to vector<16xi32>
    %swap3A_167 = vector.shape_cast %add3A_161 : vector<16xi32> to vector<1x16xi32>
    tpu.vector_store %arg8[%swap3A_163, %swap3A_164], %swap3A_167 {strides = array<i32>} : memref<4x128xi32, #tpu.memory_space<vmem>>, vector<1x16xi32>,
    %get3A_168 = arith.constant 192 : index
    %get3A_169 = tpu.vector_load %arg7[%get3A_168] {strides = array<i32>} : memref<512xi32, #tpu.memory_space<vmem>>, vector<16xi32>,
    %get3A_170 = vector.shape_cast %get3A_169 : vector<16xi32> to vector<16xi32>
    %add3A_171 = vector.broadcast %mul3A_37 : i32 to vector<16xi32>
    %add3A_172 = arith.addi %get3A_170, %add3A_171 : vector<16xi32>
    %swap3A_173 = arith.constant 1 : i32
    %swap3A_174 = arith.index_cast %swap3A_173 : i32 to index
    %swap3A_175 = arith.constant 64 : index
    %swap3A_176 = tpu.vector_load %arg8[%swap3A_174, %swap3A_175] {strides = array<i32>} : memref<4x128xi32, #tpu.memory_space<vmem>>, vector<1x16xi32>,
    %swap3A_177 = vector.shape_cast %swap3A_176 : vector<1x16xi32> to vector<16xi32>
    %swap3A_178 = vector.shape_cast %add3A_172 : vector<16xi32> to vector<1x16xi32>
    tpu.vector_store %arg8[%swap3A_174, %swap3A_175], %swap3A_178 {strides = array<i32>} : memref<4x128xi32, #tpu.memory_space<vmem>>, vector<1x16xi32>,
    %get3A_179 = arith.constant 208 : index
    %get3A_180 = tpu.vector_load %arg7[%get3A_179] {strides = array<i32>} : memref<512xi32, #tpu.memory_space<vmem>>, vector<16xi32>,
    %get3A_181 = vector.shape_cast %get3A_180 : vector<16xi32> to vector<16xi32>
    %add3A_182 = vector.broadcast %mul3A_37 : i32 to vector<16xi32>
    %add3A_183 = arith.addi %get3A_181, %add3A_182 : vector<16xi32>
    %swap3A_184 = arith.constant 1 : i32
    %swap3A_185 = arith.index_cast %swap3A_184 : i32 to index
    %swap3A_186 = arith.constant 80 : index
    %swap3A_187 = tpu.vector_load %arg8[%swap3A_185, %swap3A_186] {strides = array<i32>} : memref<4x128xi32, #tpu.memory_space<vmem>>, vector<1x16xi32>,
    %swap3A_188 = vector.shape_cast %swap3A_187 : vector<1x16xi32> to vector<16xi32>
    %swap3A_189 = vector.shape_cast %add3A_183 : vector<16xi32> to vector<1x16xi32>
    tpu.vector_store %arg8[%swap3A_185, %swap3A_186], %swap3A_189 {strides = array<i32>} : memref<4x128xi32, #tpu.memory_space<vmem>>, vector<1x16xi32>,
    %get3A_190 = arith.constant 224 : index
    %get3A_191 = tpu.vector_load %arg7[%get3A_190] {strides = array<i32>} : memref<512xi32, #tpu.memory_space<vmem>>, vector<16xi32>,
    %get3A_192 = vector.shape_cast %get3A_191 : vector<16xi32> to vector<16xi32>
    %add3A_193 = vector.broadcast %mul3A_37 : i32 to vector<16xi32>
    %add3A_194 = arith.addi %get3A_192, %add3A_193 : vector<16xi32>
    %swap3A_195 = arith.constant 1 : i32
    %swap3A_196 = arith.index_cast %swap3A_195 : i32 to index
    %swap3A_197 = arith.constant 96 : index
    %swap3A_198 = tpu.vector_load %arg8[%swap3A_196, %swap3A_197] {strides = array<i32>} : memref<4x128xi32, #tpu.memory_space<vmem>>, vector<1x16xi32>,
    %swap3A_199 = vector.shape_cast %swap3A_198 : vector<1x16xi32> to vector<16xi32>
    %swap3A_200 = vector.shape_cast %add3A_194 : vector<16xi32> to vector<1x16xi32>
    tpu.vector_store %arg8[%swap3A_196, %swap3A_197], %swap3A_200 {strides = array<i32>} : memref<4x128xi32, #tpu.memory_space<vmem>>, vector<1x16xi32>,
    %get3A_201 = arith.constant 240 : index
    %get3A_202 = tpu.vector_load %arg7[%get3A_201] {strides = array<i32>} : memref<512xi32, #tpu.memory_space<vmem>>, vector<16xi32>,
    %get3A_203 = vector.shape_cast %get3A_202 : vector<16xi32> to vector<16xi32>
    %add3A_204 = vector.broadcast %mul3A_37 : i32 to vector<16xi32>
    %add3A_205 = arith.addi %get3A_203, %add3A_204 : vector<16xi32>
    %swap3A_206 = arith.constant 1 : i32
    %swap3A_207 = arith.index_cast %swap3A_206 : i32 to index
    %swap3A_208 = arith.constant 112 : index
    %swap3A_209 = tpu.vector_load %arg8[%swap3A_207, %swap3A_208] {strides = array<i32>} : memref<4x128xi32, #tpu.memory_space<vmem>>, vector<1x16xi32>,
    %swap3A_210 = vector.shape_cast %swap3A_209 : vector<1x16xi32> to vector<16xi32>
    %swap3A_211 = vector.shape_cast %add3A_205 : vector<16xi32> to vector<1x16xi32>
    tpu.vector_store %arg8[%swap3A_207, %swap3A_208], %swap3A_211 {strides = array<i32>} : memref<4x128xi32, #tpu.memory_space<vmem>>, vector<1x16xi32>,
    %get3A_212 = arith.constant 256 : index
    %get3A_213 = tpu.vector_load %arg7[%get3A_212] {strides = array<i32>} : memref<512xi32, #tpu.memory_space<vmem>>, vector<16xi32>,
    %get3A_214 = vector.shape_cast %get3A_213 : vector<16xi32> to vector<16xi32>
    %add3A_215 = vector.broadcast %mul3A_37 : i32 to vector<16xi32>
    %add3A_216 = arith.addi %get3A_214, %add3A_215 : vector<16xi32>
    %swap3A_217 = arith.constant 2 : i32
    %swap3A_218 = arith.index_cast %swap3A_217 : i32 to index
    %swap3A_219 = arith.constant 0 : index
    %swap3A_220 = tpu.vector_load %arg8[%swap3A_218, %swap3A_219] {strides = array<i32>} : memref<4x128xi32, #tpu.memory_space<vmem>>, vector<1x16xi32>,
    %swap3A_221 = vector.shape_cast %swap3A_220 : vector<1x16xi32> to vector<16xi32>
    %swap3A_222 = vector.shape_cast %add3A_216 : vector<16xi32> to vector<1x16xi32>
    tpu.vector_store %arg8[%swap3A_218, %swap3A_219], %swap3A_222 {strides = array<i32>} : memref<4x128xi32, #tpu.memory_space<vmem>>, vector<1x16xi32>,
    %get3A_223 = arith.constant 272 : index
    %get3A_224 = tpu.vector_load %arg7[%get3A_223] {strides = array<i32>} : memref<512xi32, #tpu.memory_space<vmem>>, vector<16xi32>,
    %get3A_225 = vector.shape_cast %get3A_224 : vector<16xi32> to vector<16xi32>
    %add3A_226 = vector.broadcast %mul3A_37 : i32 to vector<16xi32>
    %add3A_227 = arith.addi %get3A_225, %add3A_226 : vector<16xi32>
    %swap3A_228 = arith.constant 2 : i32
    %swap3A_229 = arith.index_cast %swap3A_228 : i32 to index
    %swap3A_230 = arith.constant 16 : index
    %swap3A_231 = tpu.vector_load %arg8[%swap3A_229, %swap3A_230] {strides = array<i32>} : memref<4x128xi32, #tpu.memory_space<vmem>>, vector<1x16xi32>,
    %swap3A_232 = vector.shape_cast %swap3A_231 : vector<1x16xi32> to vector<16xi32>
    %swap3A_233 = vector.shape_cast %add3A_227 : vector<16xi32> to vector<1x16xi32>
    tpu.vector_store %arg8[%swap3A_229, %swap3A_230], %swap3A_233 {strides = array<i32>} : memref<4x128xi32, #tpu.memory_space<vmem>>, vector<1x16xi32>,
    %get3A_234 = arith.constant 288 : index
    %get3A_235 = tpu.vector_load %arg7[%get3A_234] {strides = array<i32>} : memref<512xi32, #tpu.memory_space<vmem>>, vector<16xi32>,
    %get3A_236 = vector.shape_cast %get3A_235 : vector<16xi32> to vector<16xi32>
    %add3A_237 = vector.broadcast %mul3A_37 : i32 to vector<16xi32>
    %add3A_238 = arith.addi %get3A_236, %add3A_237 : vector<16xi32>
    %swap3A_239 = arith.constant 2 : i32
    %swap3A_240 = arith.index_cast %swap3A_239 : i32 to index
    %swap3A_241 = arith.constant 32 : index
    %swap3A_242 = tpu.vector_load %arg8[%swap3A_240, %swap3A_241] {strides = array<i32>} : memref<4x128xi32, #tpu.memory_space<vmem>>, vector<1x16xi32>,
    %swap3A_243 = vector.shape_cast %swap3A_242 : vector<1x16xi32> to vector<16xi32>
    %swap3A_244 = vector.shape_cast %add3A_238 : vector<16xi32> to vector<1x16xi32>
    tpu.vector_store %arg8[%swap3A_240, %swap3A_241], %swap3A_244 {strides = array<i32>} : memref<4x128xi32, #tpu.memory_space<vmem>>, vector<1x16xi32>,
    %get3A_245 = arith.constant 304 : index
    %get3A_246 = tpu.vector_load %arg7[%get3A_245] {strides = array<i32>} : memref<512xi32, #tpu.memory_space<vmem>>, vector<16xi32>,
    %get3A_247 = vector.shape_cast %get3A_246 : vector<16xi32> to vector<16xi32>
    %add3A_248 = vector.broadcast %mul3A_37 : i32 to vector<16xi32>
    %add3A_249 = arith.addi %get3A_247, %add3A_248 : vector<16xi32>
    %swap3A_250 = arith.constant 2 : i32
    %swap3A_251 = arith.index_cast %swap3A_250 : i32 to index
    %swap3A_252 = arith.constant 48 : index
    %swap3A_253 = tpu.vector_load %arg8[%swap3A_251, %swap3A_252] {strides = array<i32>} : memref<4x128xi32, #tpu.memory_space<vmem>>, vector<1x16xi32>,
    %swap3A_254 = vector.shape_cast %swap3A_253 : vector<1x16xi32> to vector<16xi32>
    %swap3A_255 = vector.shape_cast %add3A_249 : vector<16xi32> to vector<1x16xi32>
    tpu.vector_store %arg8[%swap3A_251, %swap3A_252], %swap3A_255 {strides = array<i32>} : memref<4x128xi32, #tpu.memory_space<vmem>>, vector<1x16xi32>,
    %get3A_256 = arith.constant 320 : index
    %get3A_257 = tpu.vector_load %arg7[%get3A_256] {strides = array<i32>} : memref<512xi32, #tpu.memory_space<vmem>>, vector<16xi32>,
    %get3A_258 = vector.shape_cast %get3A_257 : vector<16xi32> to vector<16xi32>
    %add3A_259 = vector.broadcast %mul3A_37 : i32 to vector<16xi32>
    %add3A_260 = arith.addi %get3A_258, %add3A_259 : vector<16xi32>
    %swap3A_261 = arith.constant 2 : i32
    %swap3A_262 = arith.index_cast %swap3A_261 : i32 to index
    %swap3A_263 = arith.constant 64 : index
    %swap3A_264 = tpu.vector_load %arg8[%swap3A_262, %swap3A_263] {strides = array<i32>} : memref<4x128xi32, #tpu.memory_space<vmem>>, vector<1x16xi32>,
    %swap3A_265 = vector.shape_cast %swap3A_264 : vector<1x16xi32> to vector<16xi32>
    %swap3A_266 = vector.shape_cast %add3A_260 : vector<16xi32> to vector<1x16xi32>
    tpu.vector_store %arg8[%swap3A_262, %swap3A_263], %swap3A_266 {strides = array<i32>} : memref<4x128xi32, #tpu.memory_space<vmem>>, vector<1x16xi32>,
    %get3A_267 = arith.constant 336 : index
    %get3A_268 = tpu.vector_load %arg7[%get3A_267] {strides = array<i32>} : memref<512xi32, #tpu.memory_space<vmem>>, vector<16xi32>,
    %get3A_269 = vector.shape_cast %get3A_268 : vector<16xi32> to vector<16xi32>
    %add3A_270 = vector.broadcast %mul3A_37 : i32 to vector<16xi32>
    %add3A_271 = arith.addi %get3A_269, %add3A_270 : vector<16xi32>
    %swap3A_272 = arith.constant 2 : i32
    %swap3A_273 = arith.index_cast %swap3A_272 : i32 to index
    %swap3A_274 = arith.constant 80 : index
    %swap3A_275 = tpu.vector_load %arg8[%swap3A_273, %swap3A_274] {strides = array<i32>} : memref<4x128xi32, #tpu.memory_space<vmem>>, vector<1x16xi32>,
    %swap3A_276 = vector.shape_cast %swap3A_275 : vector<1x16xi32> to vector<16xi32>
    %swap3A_277 = vector.shape_cast %add3A_271 : vector<16xi32> to vector<1x16xi32>
    tpu.vector_store %arg8[%swap3A_273, %swap3A_274], %swap3A_277 {strides = array<i32>} : memref<4x128xi32, #tpu.memory_space<vmem>>, vector<1x16xi32>,
    %get3A_278 = arith.constant 352 : index
    %get3A_279 = tpu.vector_load %arg7[%get3A_278] {strides = array<i32>} : memref<512xi32, #tpu.memory_space<vmem>>, vector<16xi32>,
    %get3A_280 = vector.shape_cast %get3A_279 : vector<16xi32> to vector<16xi32>
    %add3A_281 = vector.broadcast %mul3A_37 : i32 to vector<16xi32>
    %add3A_282 = arith.addi %get3A_280, %add3A_281 : vector<16xi32>
    %swap3A_283 = arith.constant 2 : i32
    %swap3A_284 = arith.index_cast %swap3A_283 : i32 to index
    %swap3A_285 = arith.constant 96 : index
    %swap3A_286 = tpu.vector_load %arg8[%swap3A_284, %swap3A_285] {strides = array<i32>} : memref<4x128xi32, #tpu.memory_space<vmem>>, vector<1x16xi32>,
    %swap3A_287 = vector.shape_cast %swap3A_286 : vector<1x16xi32> to vector<16xi32>
    %swap3A_288 = vector.shape_cast %add3A_282 : vector<16xi32> to vector<1x16xi32>
    tpu.vector_store %arg8[%swap3A_284, %swap3A_285], %swap3A_288 {strides = array<i32>} : memref<4x128xi32, #tpu.memory_space<vmem>>, vector<1x16xi32>,
    %get3A_289 = arith.constant 368 : index
    %get3A_290 = tpu.vector_load %arg7[%get3A_289] {strides = array<i32>} : memref<512xi32, #tpu.memory_space<vmem>>, vector<16xi32>,
    %get3A_291 = vector.shape_cast %get3A_290 : vector<16xi32> to vector<16xi32>
    %add3A_292 = vector.broadcast %mul3A_37 : i32 to vector<16xi32>
    %add3A_293 = arith.addi %get3A_291, %add3A_292 : vector<16xi32>
    %swap3A_294 = arith.constant 2 : i32
    %swap3A_295 = arith.index_cast %swap3A_294 : i32 to index
    %swap3A_296 = arith.constant 112 : index
    %swap3A_297 = tpu.vector_load %arg8[%swap3A_295, %swap3A_296] {strides = array<i32>} : memref<4x128xi32, #tpu.memory_space<vmem>>, vector<1x16xi32>,
    %swap3A_298 = vector.shape_cast %swap3A_297 : vector<1x16xi32> to vector<16xi32>
    %swap3A_299 = vector.shape_cast %add3A_293 : vector<16xi32> to vector<1x16xi32>
    tpu.vector_store %arg8[%swap3A_295, %swap3A_296], %swap3A_299 {strides = array<i32>} : memref<4x128xi32, #tpu.memory_space<vmem>>, vector<1x16xi32>,
    %get3A_300 = arith.constant 384 : index
    %get3A_301 = tpu.vector_load %arg7[%get3A_300] {strides = array<i32>} : memref<512xi32, #tpu.memory_space<vmem>>, vector<16xi32>,
    %get3A_302 = vector.shape_cast %get3A_301 : vector<16xi32> to vector<16xi32>
    %add3A_303 = vector.broadcast %mul3A_37 : i32 to vector<16xi32>
    %add3A_304 = arith.addi %get3A_302, %add3A_303 : vector<16xi32>
    %swap3A_305 = arith.constant 3 : i32
    %swap3A_306 = arith.index_cast %swap3A_305 : i32 to index
    %swap3A_307 = arith.constant 0 : index
    %swap3A_308 = tpu.vector_load %arg8[%swap3A_306, %swap3A_307] {strides = array<i32>} : memref<4x128xi32, #tpu.memory_space<vmem>>, vector<1x16xi32>,
    %swap3A_309 = vector.shape_cast %swap3A_308 : vector<1x16xi32> to vector<16xi32>
    %swap3A_310 = vector.shape_cast %add3A_304 : vector<16xi32> to vector<1x16xi32>
    tpu.vector_store %arg8[%swap3A_306, %swap3A_307], %swap3A_310 {strides = array<i32>} : memref<4x128xi32, #tpu.memory_space<vmem>>, vector<1x16xi32>,
    %get3A_311 = arith.constant 400 : index
    %get3A_312 = tpu.vector_load %arg7[%get3A_311] {strides = array<i32>} : memref<512xi32, #tpu.memory_space<vmem>>, vector<16xi32>,
    %get3A_313 = vector.shape_cast %get3A_312 : vector<16xi32> to vector<16xi32>
    %add3A_314 = vector.broadcast %mul3A_37 : i32 to vector<16xi32>
    %add3A_315 = arith.addi %get3A_313, %add3A_314 : vector<16xi32>
    %swap3A_316 = arith.constant 3 : i32
    %swap3A_317 = arith.index_cast %swap3A_316 : i32 to index
    %swap3A_318 = arith.constant 16 : index
    %swap3A_319 = tpu.vector_load %arg8[%swap3A_317, %swap3A_318] {strides = array<i32>} : memref<4x128xi32, #tpu.memory_space<vmem>>, vector<1x16xi32>,
    %swap3A_320 = vector.shape_cast %swap3A_319 : vector<1x16xi32> to vector<16xi32>
    %swap3A_321 = vector.shape_cast %add3A_315 : vector<16xi32> to vector<1x16xi32>
    tpu.vector_store %arg8[%swap3A_317, %swap3A_318], %swap3A_321 {strides = array<i32>} : memref<4x128xi32, #tpu.memory_space<vmem>>, vector<1x16xi32>,
    %get3A_322 = arith.constant 416 : index
    %get3A_323 = tpu.vector_load %arg7[%get3A_322] {strides = array<i32>} : memref<512xi32, #tpu.memory_space<vmem>>, vector<16xi32>,
    %get3A_324 = vector.shape_cast %get3A_323 : vector<16xi32> to vector<16xi32>
    %add3A_325 = vector.broadcast %mul3A_37 : i32 to vector<16xi32>
    %add3A_326 = arith.addi %get3A_324, %add3A_325 : vector<16xi32>
    %swap3A_327 = arith.constant 3 : i32
    %swap3A_328 = arith.index_cast %swap3A_327 : i32 to index
    %swap3A_329 = arith.constant 32 : index
    %swap3A_330 = tpu.vector_load %arg8[%swap3A_328, %swap3A_329] {strides = array<i32>} : memref<4x128xi32, #tpu.memory_space<vmem>>, vector<1x16xi32>,
    %swap3A_331 = vector.shape_cast %swap3A_330 : vector<1x16xi32> to vector<16xi32>
    %swap3A_332 = vector.shape_cast %add3A_326 : vector<16xi32> to vector<1x16xi32>
    tpu.vector_store %arg8[%swap3A_328, %swap3A_329], %swap3A_332 {strides = array<i32>} : memref<4x128xi32, #tpu.memory_space<vmem>>, vector<1x16xi32>,
    %get3A_333 = arith.constant 432 : index
    %get3A_334 = tpu.vector_load %arg7[%get3A_333] {strides = array<i32>} : memref<512xi32, #tpu.memory_space<vmem>>, vector<16xi32>,
    %get3A_335 = vector.shape_cast %get3A_334 : vector<16xi32> to vector<16xi32>
    %add3A_336 = vector.broadcast %mul3A_37 : i32 to vector<16xi32>
    %add3A_337 = arith.addi %get3A_335, %add3A_336 : vector<16xi32>
    %swap3A_338 = arith.constant 3 : i32
    %swap3A_339 = arith.index_cast %swap3A_338 : i32 to index
    %swap3A_340 = arith.constant 48 : index
    %swap3A_341 = tpu.vector_load %arg8[%swap3A_339, %swap3A_340] {strides = array<i32>} : memref<4x128xi32, #tpu.memory_space<vmem>>, vector<1x16xi32>,
    %swap3A_342 = vector.shape_cast %swap3A_341 : vector<1x16xi32> to vector<16xi32>
    %swap3A_343 = vector.shape_cast %add3A_337 : vector<16xi32> to vector<1x16xi32>
    tpu.vector_store %arg8[%swap3A_339, %swap3A_340], %swap3A_343 {strides = array<i32>} : memref<4x128xi32, #tpu.memory_space<vmem>>, vector<1x16xi32>,
    %get3A_344 = arith.constant 448 : index
    %get3A_345 = tpu.vector_load %arg7[%get3A_344] {strides = array<i32>} : memref<512xi32, #tpu.memory_space<vmem>>, vector<16xi32>,
    %get3A_346 = vector.shape_cast %get3A_345 : vector<16xi32> to vector<16xi32>
    %add3A_347 = vector.broadcast %mul3A_37 : i32 to vector<16xi32>
    %add3A_348 = arith.addi %get3A_346, %add3A_347 : vector<16xi32>
    %swap3A_349 = arith.constant 3 : i32
    %swap3A_350 = arith.index_cast %swap3A_349 : i32 to index
    %swap3A_351 = arith.constant 64 : index
    %swap3A_352 = tpu.vector_load %arg8[%swap3A_350, %swap3A_351] {strides = array<i32>} : memref<4x128xi32, #tpu.memory_space<vmem>>, vector<1x16xi32>,
    %swap3A_353 = vector.shape_cast %swap3A_352 : vector<1x16xi32> to vector<16xi32>
    %swap3A_354 = vector.shape_cast %add3A_348 : vector<16xi32> to vector<1x16xi32>
    tpu.vector_store %arg8[%swap3A_350, %swap3A_351], %swap3A_354 {strides = array<i32>} : memref<4x128xi32, #tpu.memory_space<vmem>>, vector<1x16xi32>,
    %get3A_355 = arith.constant 464 : index
    %get3A_356 = tpu.vector_load %arg7[%get3A_355] {strides = array<i32>} : memref<512xi32, #tpu.memory_space<vmem>>, vector<16xi32>,
    %get3A_357 = vector.shape_cast %get3A_356 : vector<16xi32> to vector<16xi32>
    %add3A_358 = vector.broadcast %mul3A_37 : i32 to vector<16xi32>
    %add3A_359 = arith.addi %get3A_357, %add3A_358 : vector<16xi32>
    %swap3A_360 = arith.constant 3 : i32
    %swap3A_361 = arith.index_cast %swap3A_360 : i32 to index
    %swap3A_362 = arith.constant 80 : index
    %swap3A_363 = tpu.vector_load %arg8[%swap3A_361, %swap3A_362] {strides = array<i32>} : memref<4x128xi32, #tpu.memory_space<vmem>>, vector<1x16xi32>,
    %swap3A_364 = vector.shape_cast %swap3A_363 : vector<1x16xi32> to vector<16xi32>
    %swap3A_365 = vector.shape_cast %add3A_359 : vector<16xi32> to vector<1x16xi32>
    tpu.vector_store %arg8[%swap3A_361, %swap3A_362], %swap3A_365 {strides = array<i32>} : memref<4x128xi32, #tpu.memory_space<vmem>>, vector<1x16xi32>,
    %get3A_366 = arith.constant 480 : index
    %get3A_367 = tpu.vector_load %arg7[%get3A_366] {strides = array<i32>} : memref<512xi32, #tpu.memory_space<vmem>>, vector<16xi32>,
    %get3A_368 = vector.shape_cast %get3A_367 : vector<16xi32> to vector<16xi32>
    %add3A_369 = vector.broadcast %mul3A_37 : i32 to vector<16xi32>
    %add3A_370 = arith.addi %get3A_368, %add3A_369 : vector<16xi32>
    %swap3A_371 = arith.constant 3 : i32
    %swap3A_372 = arith.index_cast %swap3A_371 : i32 to index
    %swap3A_373 = arith.constant 96 : index
    %swap3A_374 = tpu.vector_load %arg8[%swap3A_372, %swap3A_373] {strides = array<i32>} : memref<4x128xi32, #tpu.memory_space<vmem>>, vector<1x16xi32>,
    %swap3A_375 = vector.shape_cast %swap3A_374 : vector<1x16xi32> to vector<16xi32>
    %swap3A_376 = vector.shape_cast %add3A_370 : vector<16xi32> to vector<1x16xi32>
    tpu.vector_store %arg8[%swap3A_372, %swap3A_373], %swap3A_376 {strides = array<i32>} : memref<4x128xi32, #tpu.memory_space<vmem>>, vector<1x16xi32>,
    %get3A_377 = arith.constant 496 : index
    %get3A_378 = tpu.vector_load %arg7[%get3A_377] {strides = array<i32>} : memref<512xi32, #tpu.memory_space<vmem>>, vector<16xi32>,
    %get3A_379 = vector.shape_cast %get3A_378 : vector<16xi32> to vector<16xi32>
    %add3A_380 = vector.broadcast %mul3A_37 : i32 to vector<16xi32>
    %add3A_381 = arith.addi %get3A_379, %add3A_380 : vector<16xi32>
    %swap3A_382 = arith.constant 3 : i32
    %swap3A_383 = arith.index_cast %swap3A_382 : i32 to index
    %swap3A_384 = arith.constant 112 : index
    %swap3A_385 = tpu.vector_load %arg8[%swap3A_383, %swap3A_384] {strides = array<i32>} : memref<4x128xi32, #tpu.memory_space<vmem>>, vector<1x16xi32>,
    %swap3A_386 = vector.shape_cast %swap3A_385 : vector<1x16xi32> to vector<16xi32>
    %swap3A_387 = vector.shape_cast %add3A_381 : vector<16xi32> to vector<1x16xi32>
    tpu.vector_store %arg8[%swap3A_383, %swap3A_384], %swap3A_387 {strides = array<i32>} : memref<4x128xi32, #tpu.memory_space<vmem>>, vector<1x16xi32>,
    %barrier3A = arith.constant 0 : index
    tpu.barrier barrier_id(%barrier3A)
    %add3A_388 = arith.constant 0 : i32
    %add3A_389 = arith.addi %mul3A_32, %add3A_388 : i32
    %dma_start3A = arith.constant 0 : i32
    %dma_start3A_390 = arith.constant 0 : i32
    %dma_start3A_391 = arith.constant 0 : i32
    %dma_start3A_392 = arith.constant 0 : i32
    %dma_start3A_393 = tpu.memref_slice %arg6[%dma_start3A, %dma_start3A_391, %dma_start3A_392] : memref<4x128x128xf32, #tpu.memory_space<vmem>> -> memref<1x128x128xf32, #tpu.memory_space<vmem>>
    %dma_start3A_394 = tpu.memref_squeeze %dma_start3A_393 : memref<1x128x128xf32, #tpu.memory_space<vmem>> -> memref<128x128xf32, #tpu.memory_space<vmem>>
    %dma_start3A_395 = arith.constant 0 : i32
    %dma_start3A_396 = tpu.memref_slice %arg2[%add3A_30, %add3A_389, %dma_start3A_395] : memref<16x4096x128xf32, #tpu.memory_space<hbm>> -> memref<1x128x128xf32, #tpu.memory_space<hbm>>
    %dma_start3A_397 = tpu.memref_squeeze %dma_start3A_396 : memref<1x128x128xf32, #tpu.memory_space<hbm>> -> memref<128x128xf32, #tpu.memory_space<hbm>>
    %dma_start3A_398 = tpu.memref_slice %arg10[%dma_start3A_390] : memref<4x!tpu.dma_semaphore, #tpu.memory_space<semaphore_mem>> -> memref<1x!tpu.dma_semaphore, #tpu.memory_space<semaphore_mem>>
    %dma_start3A_399 = tpu.memref_squeeze %dma_start3A_398 : memref<1x!tpu.dma_semaphore, #tpu.memory_space<semaphore_mem>> -> memref<!tpu.dma_semaphore, #tpu.memory_space<semaphore_mem>>
    %dma_start3A_400 = arith.constant 0 : i32
    %dma_start3A_401 = arith.constant 0 : i32
    %dma_start3A_402 = tpu.memref_slice %arg6[%dma_start3A, %dma_start3A_400, %dma_start3A_401] : memref<4x128x128xf32, #tpu.memory_space<vmem>> -> memref<1x128x128xf32, #tpu.memory_space<vmem>>
    %dma_start3A_403 = tpu.memref_squeeze %dma_start3A_402 : memref<1x128x128xf32, #tpu.memory_space<vmem>> -> memref<128x128xf32, #tpu.memory_space<vmem>>
    %dma_start3A_404 = arith.constant 0 : i32
    %dma_start3A_405 = tpu.memref_slice %arg2[%add3A_30, %add3A_389, %dma_start3A_404] : memref<16x4096x128xf32, #tpu.memory_space<hbm>> -> memref<1x128x128xf32, #tpu.memory_space<hbm>>
    %dma_start3A_406 = tpu.memref_squeeze %dma_start3A_405 : memref<1x128x128xf32, #tpu.memory_space<hbm>> -> memref<128x128xf32, #tpu.memory_space<hbm>>
    tpu.enqueue_dma source(%dma_start3A_406 : memref<128x128xf32, #tpu.memory_space<hbm>>) target(%dma_start3A_403 : memref<128x128xf32, #tpu.memory_space<vmem>>) target_semaphore(%dma_start3A_399 : memref<!tpu.dma_semaphore, #tpu.memory_space<semaphore_mem>>)
    %add3A_407 = arith.constant 128 : i32
    %add3A_408 = arith.addi %mul3A_32, %add3A_407 : i32
    %dma_start3A_409 = arith.constant 1 : i32
    %dma_start3A_410 = arith.constant 1 : i32
    %dma_start3A_411 = arith.constant 0 : i32
    %dma_start3A_412 = arith.constant 0 : i32
    %dma_start3A_413 = tpu.memref_slice %arg6[%dma_start3A_409, %dma_start3A_411, %dma_start3A_412] : memref<4x128x128xf32, #tpu.memory_space<vmem>> -> memref<1x128x128xf32, #tpu.memory_space<vmem>>
    %dma_start3A_414 = tpu.memref_squeeze %dma_start3A_413 : memref<1x128x128xf32, #tpu.memory_space<vmem>> -> memref<128x128xf32, #tpu.memory_space<vmem>>
    %dma_start3A_415 = arith.constant 0 : i32
    %dma_start3A_416 = tpu.memref_slice %arg2[%add3A_30, %add3A_408, %dma_start3A_415] : memref<16x4096x128xf32, #tpu.memory_space<hbm>> -> memref<1x128x128xf32, #tpu.memory_space<hbm>>
    %dma_start3A_417 = tpu.memref_squeeze %dma_start3A_416 : memref<1x128x128xf32, #tpu.memory_space<hbm>> -> memref<128x128xf32, #tpu.memory_space<hbm>>
    %dma_start3A_418 = tpu.memref_slice %arg10[%dma_start3A_410] : memref<4x!tpu.dma_semaphore, #tpu.memory_space<semaphore_mem>> -> memref<1x!tpu.dma_semaphore, #tpu.memory_space<semaphore_mem>>
    %dma_start3A_419 = tpu.memref_squeeze %dma_start3A_418 : memref<1x!tpu.dma_semaphore, #tpu.memory_space<semaphore_mem>> -> memref<!tpu.dma_semaphore, #tpu.memory_space<semaphore_mem>>
    %dma_start3A_420 = arith.constant 0 : i32
    %dma_start3A_421 = arith.constant 0 : i32
    %dma_start3A_422 = tpu.memref_slice %arg6[%dma_start3A_409, %dma_start3A_420, %dma_start3A_421] : memref<4x128x128xf32, #tpu.memory_space<vmem>> -> memref<1x128x128xf32, #tpu.memory_space<vmem>>
    %dma_start3A_423 = tpu.memref_squeeze %dma_start3A_422 : memref<1x128x128xf32, #tpu.memory_space<vmem>> -> memref<128x128xf32, #tpu.memory_space<vmem>>
    %dma_start3A_424 = arith.constant 0 : i32
    %dma_start3A_425 = tpu.memref_slice %arg2[%add3A_30, %add3A_408, %dma_start3A_424] : memref<16x4096x128xf32, #tpu.memory_space<hbm>> -> memref<1x128x128xf32, #tpu.memory_space<hbm>>
    %dma_start3A_426 = tpu.memref_squeeze %dma_start3A_425 : memref<1x128x128xf32, #tpu.memory_space<hbm>> -> memref<128x128xf32, #tpu.memory_space<hbm>>
    tpu.enqueue_dma source(%dma_start3A_426 : memref<128x128xf32, #tpu.memory_space<hbm>>) target(%dma_start3A_423 : memref<128x128xf32, #tpu.memory_space<vmem>>) target_semaphore(%dma_start3A_419 : memref<!tpu.dma_semaphore, #tpu.memory_space<semaphore_mem>>)
    %add3A_427 = arith.constant 256 : i32
    %add3A_428 = arith.addi %mul3A_32, %add3A_427 : i32
    %dma_start3A_429 = arith.constant 2 : i32
    %dma_start3A_430 = arith.constant 2 : i32
    %dma_start3A_431 = arith.constant 0 : i32
    %dma_start3A_432 = arith.constant 0 : i32
    %dma_start3A_433 = tpu.memref_slice %arg6[%dma_start3A_429, %dma_start3A_431, %dma_start3A_432] : memref<4x128x128xf32, #tpu.memory_space<vmem>> -> memref<1x128x128xf32, #tpu.memory_space<vmem>>
    %dma_start3A_434 = tpu.memref_squeeze %dma_start3A_433 : memref<1x128x128xf32, #tpu.memory_space<vmem>> -> memref<128x128xf32, #tpu.memory_space<vmem>>
    %dma_start3A_435 = arith.constant 0 : i32
    %dma_start3A_436 = tpu.memref_slice %arg2[%add3A_30, %add3A_428, %dma_start3A_435] : memref<16x4096x128xf32, #tpu.memory_space<hbm>> -> memref<1x128x128xf32, #tpu.memory_space<hbm>>
    %dma_start3A_437 = tpu.memref_squeeze %dma_start3A_436 : memref<1x128x128xf32, #tpu.memory_space<hbm>> -> memref<128x128xf32, #tpu.memory_space<hbm>>
    %dma_start3A_438 = tpu.memref_slice %arg10[%dma_start3A_430] : memref<4x!tpu.dma_semaphore, #tpu.memory_space<semaphore_mem>> -> memref<1x!tpu.dma_semaphore, #tpu.memory_space<semaphore_mem>>
    %dma_start3A_439 = tpu.memref_squeeze %dma_start3A_438 : memref<1x!tpu.dma_semaphore, #tpu.memory_space<semaphore_mem>> -> memref<!tpu.dma_semaphore, #tpu.memory_space<semaphore_mem>>
    %dma_start3A_440 = arith.constant 0 : i32
    %dma_start3A_441 = arith.constant 0 : i32
    %dma_start3A_442 = tpu.memref_slice %arg6[%dma_start3A_429, %dma_start3A_440, %dma_start3A_441] : memref<4x128x128xf32, #tpu.memory_space<vmem>> -> memref<1x128x128xf32, #tpu.memory_space<vmem>>
    %dma_start3A_443 = tpu.memref_squeeze %dma_start3A_442 : memref<1x128x128xf32, #tpu.memory_space<vmem>> -> memref<128x128xf32, #tpu.memory_space<vmem>>
    %dma_start3A_444 = arith.constant 0 : i32
    %dma_start3A_445 = tpu.memref_slice %arg2[%add3A_30, %add3A_428, %dma_start3A_444] : memref<16x4096x128xf32, #tpu.memory_space<hbm>> -> memref<1x128x128xf32, #tpu.memory_space<hbm>>
    %dma_start3A_446 = tpu.memref_squeeze %dma_start3A_445 : memref<1x128x128xf32, #tpu.memory_space<hbm>> -> memref<128x128xf32, #tpu.memory_space<hbm>>
    tpu.enqueue_dma source(%dma_start3A_446 : memref<128x128xf32, #tpu.memory_space<hbm>>) target(%dma_start3A_443 : memref<128x128xf32, #tpu.memory_space<vmem>>) target_semaphore(%dma_start3A_439 : memref<!tpu.dma_semaphore, #tpu.memory_space<semaphore_mem>>)
    %add3A_447 = arith.constant 384 : i32
    %add3A_448 = arith.addi %mul3A_32, %add3A_447 : i32
    %dma_start3A_449 = arith.constant 3 : i32
    %dma_start3A_450 = arith.constant 3 : i32
    %dma_start3A_451 = arith.constant 0 : i32
    %dma_start3A_452 = arith.constant 0 : i32
    %dma_start3A_453 = tpu.memref_slice %arg6[%dma_start3A_449, %dma_start3A_451, %dma_start3A_452] : memref<4x128x128xf32, #tpu.memory_space<vmem>> -> memref<1x128x128xf32, #tpu.memory_space<vmem>>
    %dma_start3A_454 = tpu.memref_squeeze %dma_start3A_453 : memref<1x128x128xf32, #tpu.memory_space<vmem>> -> memref<128x128xf32, #tpu.memory_space<vmem>>
    %dma_start3A_455 = arith.constant 0 : i32
    %dma_start3A_456 = tpu.memref_slice %arg2[%add3A_30, %add3A_448, %dma_start3A_455] : memref<16x4096x128xf32, #tpu.memory_space<hbm>> -> memref<1x128x128xf32, #tpu.memory_space<hbm>>
    %dma_start3A_457 = tpu.memref_squeeze %dma_start3A_456 : memref<1x128x128xf32, #tpu.memory_space<hbm>> -> memref<128x128xf32, #tpu.memory_space<hbm>>
    %dma_start3A_458 = tpu.memref_slice %arg10[%dma_start3A_450] : memref<4x!tpu.dma_semaphore, #tpu.memory_space<semaphore_mem>> -> memref<1x!tpu.dma_semaphore, #tpu.memory_space<semaphore_mem>>
    %dma_start3A_459 = tpu.memref_squeeze %dma_start3A_458 : memref<1x!tpu.dma_semaphore, #tpu.memory_space<semaphore_mem>> -> memref<!tpu.dma_semaphore, #tpu.memory_space<semaphore_mem>>
    %dma_start3A_460 = arith.constant 0 : i32
    %dma_start3A_461 = arith.constant 0 : i32
    %dma_start3A_462 = tpu.memref_slice %arg6[%dma_start3A_449, %dma_start3A_460, %dma_start3A_461] : memref<4x128x128xf32, #tpu.memory_space<vmem>> -> memref<1x128x128xf32, #tpu.memory_space<vmem>>
    %dma_start3A_463 = tpu.memref_squeeze %dma_start3A_462 : memref<1x128x128xf32, #tpu.memory_space<vmem>> -> memref<128x128xf32, #tpu.memory_space<vmem>>
    %dma_start3A_464 = arith.constant 0 : i32
    %dma_start3A_465 = tpu.memref_slice %arg2[%add3A_30, %add3A_448, %dma_start3A_464] : memref<16x4096x128xf32, #tpu.memory_space<hbm>> -> memref<1x128x128xf32, #tpu.memory_space<hbm>>
    %dma_start3A_466 = tpu.memref_squeeze %dma_start3A_465 : memref<1x128x128xf32, #tpu.memory_space<hbm>> -> memref<128x128xf32, #tpu.memory_space<hbm>>
    tpu.enqueue_dma source(%dma_start3A_466 : memref<128x128xf32, #tpu.memory_space<hbm>>) target(%dma_start3A_463 : memref<128x128xf32, #tpu.memory_space<vmem>>) target_semaphore(%dma_start3A_459 : memref<!tpu.dma_semaphore, #tpu.memory_space<semaphore_mem>>)
    %dma_wait3A = arith.constant 0 : i32
    %dma_wait3A_467 = arith.constant 0 : i32
    %dma_wait3A_468 = arith.constant 0 : i32
    %dma_wait3A_469 = arith.constant 0 : i32
    %dma_wait3A_470 = tpu.memref_slice %arg6[%dma_wait3A, %dma_wait3A_468, %dma_wait3A_469] : memref<4x128x128xf32, #tpu.memory_space<vmem>> -> memref<1x128x128xf32, #tpu.memory_space<vmem>>
    %dma_wait3A_471 = tpu.memref_squeeze %dma_wait3A_470 : memref<1x128x128xf32, #tpu.memory_space<vmem>> -> memref<128x128xf32, #tpu.memory_space<vmem>>
    %dma_wait3A_472 = arith.constant 0 : i32
    %dma_wait3A_473 = tpu.memref_slice %arg2[%add3A_30, %add3A_389, %dma_wait3A_472] : memref<16x4096x128xf32, #tpu.memory_space<hbm>> -> memref<1x128x128xf32, #tpu.memory_space<hbm>>
    %dma_wait3A_474 = tpu.memref_squeeze %dma_wait3A_473 : memref<1x128x128xf32, #tpu.memory_space<hbm>> -> memref<128x128xf32, #tpu.memory_space<hbm>>
    %dma_wait3A_475 = tpu.memref_slice %arg10[%dma_wait3A_467] : memref<4x!tpu.dma_semaphore, #tpu.memory_space<semaphore_mem>> -> memref<1x!tpu.dma_semaphore, #tpu.memory_space<semaphore_mem>>
    %dma_wait3A_476 = tpu.memref_squeeze %dma_wait3A_475 : memref<1x!tpu.dma_semaphore, #tpu.memory_space<semaphore_mem>> -> memref<!tpu.dma_semaphore, #tpu.memory_space<semaphore_mem>>
    %dma_wait3A_477 = arith.constant 0 : i32
    %dma_wait3A_478 = arith.constant 0 : i32
    %dma_wait3A_479 = tpu.memref_slice %arg6[%dma_wait3A, %dma_wait3A_477, %dma_wait3A_478] : memref<4x128x128xf32, #tpu.memory_space<vmem>> -> memref<1x128x128xf32, #tpu.memory_space<vmem>>
    %dma_wait3A_480 = tpu.memref_squeeze %dma_wait3A_479 : memref<1x128x128xf32, #tpu.memory_space<vmem>> -> memref<128x128xf32, #tpu.memory_space<vmem>>
    %dma_wait3A_481 = arith.constant 0 : i32
    %dma_wait3A_482 = tpu.memref_slice %arg2[%add3A_30, %add3A_389, %dma_wait3A_481] : memref<16x4096x128xf32, #tpu.memory_space<hbm>> -> memref<1x128x128xf32, #tpu.memory_space<hbm>>
    %dma_wait3A_483 = tpu.memref_squeeze %dma_wait3A_482 : memref<1x128x128xf32, #tpu.memory_space<hbm>> -> memref<128x128xf32, #tpu.memory_space<hbm>>
    tpu.wait_dma2 semaphore(%dma_wait3A_476 : memref<!tpu.dma_semaphore, #tpu.memory_space<semaphore_mem>>) src(%dma_wait3A_483 : memref<128x128xf32, #tpu.memory_space<hbm>>) dst(%dma_wait3A_480 : memref<128x128xf32, #tpu.memory_space<vmem>>)
    %dma_start3A_484 = arith.constant 0 : i32
    %dma_start3A_485 = arith.constant 0 : i32
    %dma_start3A_486 = arith.constant 0 : i32
    %dma_start3A_487 = arith.constant 0 : i32
    %dma_start3A_488 = arith.constant 0 : i32
    %dma_start3A_489 = tpu.memref_slice %arg6[%dma_start3A_484, %dma_start3A_487, %dma_start3A_488] : memref<4x128x128xf32, #tpu.memory_space<vmem>> -> memref<1x128x128xf32, #tpu.memory_space<vmem>>
    %dma_start3A_490 = tpu.memref_squeeze %dma_start3A_489 : memref<1x128x128xf32, #tpu.memory_space<vmem>> -> memref<128x128xf32, #tpu.memory_space<vmem>>
    %dma_start3A_491 = arith.constant 0 : i32
    %dma_start3A_492 = tpu.memref_slice %arg8[%dma_start3A_485, %dma_start3A_491] : memref<4x128xi32, #tpu.memory_space<vmem>> -> memref<1x128xi32, #tpu.memory_space<vmem>>
    %dma_start3A_493 = tpu.memref_squeeze %dma_start3A_492 : memref<1x128xi32, #tpu.memory_space<vmem>> -> memref<128xi32, #tpu.memory_space<vmem>>
    %dma_start3A_494 = arith.constant 0 : i32
    %dma_start3A_495 = arith.constant 0 : i32
    %dma_start3A_496 = tpu.memref_slice %arg9[%dma_start3A_494, %dma_start3A_495] : memref<128x128xf32, #tpu.memory_space<vmem_shared>> -> memref<128x128xf32, #tpu.memory_space<vmem_shared>>
    %dma_start3A_497 = tpu.memref_slice %arg11[%dma_start3A_486] : memref<4x!tpu.dma_semaphore, #tpu.memory_space<semaphore_mem>> -> memref<1x!tpu.dma_semaphore, #tpu.memory_space<semaphore_mem>>
    %dma_start3A_498 = tpu.memref_squeeze %dma_start3A_497 : memref<1x!tpu.dma_semaphore, #tpu.memory_space<semaphore_mem>> -> memref<!tpu.dma_semaphore, #tpu.memory_space<semaphore_mem>>
    tpu.enqueue_indirect_dma source(%dma_start3A_490 : memref<128x128xf32, #tpu.memory_space<vmem>>) target(%dma_start3A_496 : memref<128x128xf32, #tpu.memory_space<vmem_shared>>) offsets(%dma_start3A_493 : memref<128xi32, #tpu.memory_space<vmem>>) semaphore(%dma_start3A_498 : memref<!tpu.dma_semaphore, #tpu.memory_space<semaphore_mem>>) {add = true}
    %dma_wait3A_499 = arith.constant 1 : i32
    %dma_wait3A_500 = arith.constant 1 : i32
    %dma_wait3A_501 = arith.constant 0 : i32
    %dma_wait3A_502 = arith.constant 0 : i32
    %dma_wait3A_503 = tpu.memref_slice %arg6[%dma_wait3A_499, %dma_wait3A_501, %dma_wait3A_502] : memref<4x128x128xf32, #tpu.memory_space<vmem>> -> memref<1x128x128xf32, #tpu.memory_space<vmem>>
    %dma_wait3A_504 = tpu.memref_squeeze %dma_wait3A_503 : memref<1x128x128xf32, #tpu.memory_space<vmem>> -> memref<128x128xf32, #tpu.memory_space<vmem>>
    %dma_wait3A_505 = arith.constant 0 : i32
    %dma_wait3A_506 = tpu.memref_slice %arg2[%add3A_30, %add3A_408, %dma_wait3A_505] : memref<16x4096x128xf32, #tpu.memory_space<hbm>> -> memref<1x128x128xf32, #tpu.memory_space<hbm>>
    %dma_wait3A_507 = tpu.memref_squeeze %dma_wait3A_506 : memref<1x128x128xf32, #tpu.memory_space<hbm>> -> memref<128x128xf32, #tpu.memory_space<hbm>>
    %dma_wait3A_508 = tpu.memref_slice %arg10[%dma_wait3A_500] : memref<4x!tpu.dma_semaphore, #tpu.memory_space<semaphore_mem>> -> memref<1x!tpu.dma_semaphore, #tpu.memory_space<semaphore_mem>>
    %dma_wait3A_509 = tpu.memref_squeeze %dma_wait3A_508 : memref<1x!tpu.dma_semaphore, #tpu.memory_space<semaphore_mem>> -> memref<!tpu.dma_semaphore, #tpu.memory_space<semaphore_mem>>
    %dma_wait3A_510 = arith.constant 0 : i32
    %dma_wait3A_511 = arith.constant 0 : i32
    %dma_wait3A_512 = tpu.memref_slice %arg6[%dma_wait3A_499, %dma_wait3A_510, %dma_wait3A_511] : memref<4x128x128xf32, #tpu.memory_space<vmem>> -> memref<1x128x128xf32, #tpu.memory_space<vmem>>
    %dma_wait3A_513 = tpu.memref_squeeze %dma_wait3A_512 : memref<1x128x128xf32, #tpu.memory_space<vmem>> -> memref<128x128xf32, #tpu.memory_space<vmem>>
    %dma_wait3A_514 = arith.constant 0 : i32
    %dma_wait3A_515 = tpu.memref_slice %arg2[%add3A_30, %add3A_408, %dma_wait3A_514] : memref<16x4096x128xf32, #tpu.memory_space<hbm>> -> memref<1x128x128xf32, #tpu.memory_space<hbm>>
    %dma_wait3A_516 = tpu.memref_squeeze %dma_wait3A_515 : memref<1x128x128xf32, #tpu.memory_space<hbm>> -> memref<128x128xf32, #tpu.memory_space<hbm>>
    tpu.wait_dma2 semaphore(%dma_wait3A_509 : memref<!tpu.dma_semaphore, #tpu.memory_space<semaphore_mem>>) src(%dma_wait3A_516 : memref<128x128xf32, #tpu.memory_space<hbm>>) dst(%dma_wait3A_513 : memref<128x128xf32, #tpu.memory_space<vmem>>)
    %dma_start3A_517 = arith.constant 1 : i32
    %dma_start3A_518 = arith.constant 1 : i32
    %dma_start3A_519 = arith.constant 1 : i32
    %dma_start3A_520 = arith.constant 0 : i32
    %dma_start3A_521 = arith.constant 0 : i32
    %dma_start3A_522 = tpu.memref_slice %arg6[%dma_start3A_517, %dma_start3A_520, %dma_start3A_521] : memref<4x128x128xf32, #tpu.memory_space<vmem>> -> memref<1x128x128xf32, #tpu.memory_space<vmem>>
    %dma_start3A_523 = tpu.memref_squeeze %dma_start3A_522 : memref<1x128x128xf32, #tpu.memory_space<vmem>> -> memref<128x128xf32, #tpu.memory_space<vmem>>
    %dma_start3A_524 = arith.constant 0 : i32
    %dma_start3A_525 = tpu.memref_slice %arg8[%dma_start3A_518, %dma_start3A_524] : memref<4x128xi32, #tpu.memory_space<vmem>> -> memref<1x128xi32, #tpu.memory_space<vmem>>
    %dma_start3A_526 = tpu.memref_squeeze %dma_start3A_525 : memref<1x128xi32, #tpu.memory_space<vmem>> -> memref<128xi32, #tpu.memory_space<vmem>>
    %dma_start3A_527 = arith.constant 0 : i32
    %dma_start3A_528 = arith.constant 0 : i32
    %dma_start3A_529 = tpu.memref_slice %arg9[%dma_start3A_527, %dma_start3A_528] : memref<128x128xf32, #tpu.memory_space<vmem_shared>> -> memref<128x128xf32, #tpu.memory_space<vmem_shared>>
    %dma_start3A_530 = tpu.memref_slice %arg11[%dma_start3A_519] : memref<4x!tpu.dma_semaphore, #tpu.memory_space<semaphore_mem>> -> memref<1x!tpu.dma_semaphore, #tpu.memory_space<semaphore_mem>>
    %dma_start3A_531 = tpu.memref_squeeze %dma_start3A_530 : memref<1x!tpu.dma_semaphore, #tpu.memory_space<semaphore_mem>> -> memref<!tpu.dma_semaphore, #tpu.memory_space<semaphore_mem>>
    tpu.enqueue_indirect_dma source(%dma_start3A_523 : memref<128x128xf32, #tpu.memory_space<vmem>>) target(%dma_start3A_529 : memref<128x128xf32, #tpu.memory_space<vmem_shared>>) offsets(%dma_start3A_526 : memref<128xi32, #tpu.memory_space<vmem>>) semaphore(%dma_start3A_531 : memref<!tpu.dma_semaphore, #tpu.memory_space<semaphore_mem>>) {add = true}
    %dma_wait3A_532 = arith.constant 2 : i32
    %dma_wait3A_533 = arith.constant 2 : i32
    %dma_wait3A_534 = arith.constant 0 : i32
    %dma_wait3A_535 = arith.constant 0 : i32
    %dma_wait3A_536 = tpu.memref_slice %arg6[%dma_wait3A_532, %dma_wait3A_534, %dma_wait3A_535] : memref<4x128x128xf32, #tpu.memory_space<vmem>> -> memref<1x128x128xf32, #tpu.memory_space<vmem>>
    %dma_wait3A_537 = tpu.memref_squeeze %dma_wait3A_536 : memref<1x128x128xf32, #tpu.memory_space<vmem>> -> memref<128x128xf32, #tpu.memory_space<vmem>>
    %dma_wait3A_538 = arith.constant 0 : i32
    %dma_wait3A_539 = tpu.memref_slice %arg2[%add3A_30, %add3A_428, %dma_wait3A_538] : memref<16x4096x128xf32, #tpu.memory_space<hbm>> -> memref<1x128x128xf32, #tpu.memory_space<hbm>>
    %dma_wait3A_540 = tpu.memref_squeeze %dma_wait3A_539 : memref<1x128x128xf32, #tpu.memory_space<hbm>> -> memref<128x128xf32, #tpu.memory_space<hbm>>
    %dma_wait3A_541 = tpu.memref_slice %arg10[%dma_wait3A_533] : memref<4x!tpu.dma_semaphore, #tpu.memory_space<semaphore_mem>> -> memref<1x!tpu.dma_semaphore, #tpu.memory_space<semaphore_mem>>
    %dma_wait3A_542 = tpu.memref_squeeze %dma_wait3A_541 : memref<1x!tpu.dma_semaphore, #tpu.memory_space<semaphore_mem>> -> memref<!tpu.dma_semaphore, #tpu.memory_space<semaphore_mem>>
    %dma_wait3A_543 = arith.constant 0 : i32
    %dma_wait3A_544 = arith.constant 0 : i32
    %dma_wait3A_545 = tpu.memref_slice %arg6[%dma_wait3A_532, %dma_wait3A_543, %dma_wait3A_544] : memref<4x128x128xf32, #tpu.memory_space<vmem>> -> memref<1x128x128xf32, #tpu.memory_space<vmem>>
    %dma_wait3A_546 = tpu.memref_squeeze %dma_wait3A_545 : memref<1x128x128xf32, #tpu.memory_space<vmem>> -> memref<128x128xf32, #tpu.memory_space<vmem>>
    %dma_wait3A_547 = arith.constant 0 : i32
    %dma_wait3A_548 = tpu.memref_slice %arg2[%add3A_30, %add3A_428, %dma_wait3A_547] : memref<16x4096x128xf32, #tpu.memory_space<hbm>> -> memref<1x128x128xf32, #tpu.memory_space<hbm>>
    %dma_wait3A_549 = tpu.memref_squeeze %dma_wait3A_548 : memref<1x128x128xf32, #tpu.memory_space<hbm>> -> memref<128x128xf32, #tpu.memory_space<hbm>>
    tpu.wait_dma2 semaphore(%dma_wait3A_542 : memref<!tpu.dma_semaphore, #tpu.memory_space<semaphore_mem>>) src(%dma_wait3A_549 : memref<128x128xf32, #tpu.memory_space<hbm>>) dst(%dma_wait3A_546 : memref<128x128xf32, #tpu.memory_space<vmem>>)
    %dma_start3A_550 = arith.constant 2 : i32
    %dma_start3A_551 = arith.constant 2 : i32
    %dma_start3A_552 = arith.constant 2 : i32
    %dma_start3A_553 = arith.constant 0 : i32
    %dma_start3A_554 = arith.constant 0 : i32
    %dma_start3A_555 = tpu.memref_slice %arg6[%dma_start3A_550, %dma_start3A_553, %dma_start3A_554] : memref<4x128x128xf32, #tpu.memory_space<vmem>> -> memref<1x128x128xf32, #tpu.memory_space<vmem>>
    %dma_start3A_556 = tpu.memref_squeeze %dma_start3A_555 : memref<1x128x128xf32, #tpu.memory_space<vmem>> -> memref<128x128xf32, #tpu.memory_space<vmem>>
    %dma_start3A_557 = arith.constant 0 : i32
    %dma_start3A_558 = tpu.memref_slice %arg8[%dma_start3A_551, %dma_start3A_557] : memref<4x128xi32, #tpu.memory_space<vmem>> -> memref<1x128xi32, #tpu.memory_space<vmem>>
    %dma_start3A_559 = tpu.memref_squeeze %dma_start3A_558 : memref<1x128xi32, #tpu.memory_space<vmem>> -> memref<128xi32, #tpu.memory_space<vmem>>
    %dma_start3A_560 = arith.constant 0 : i32
    %dma_start3A_561 = arith.constant 0 : i32
    %dma_start3A_562 = tpu.memref_slice %arg9[%dma_start3A_560, %dma_start3A_561] : memref<128x128xf32, #tpu.memory_space<vmem_shared>> -> memref<128x128xf32, #tpu.memory_space<vmem_shared>>
    %dma_start3A_563 = tpu.memref_slice %arg11[%dma_start3A_552] : memref<4x!tpu.dma_semaphore, #tpu.memory_space<semaphore_mem>> -> memref<1x!tpu.dma_semaphore, #tpu.memory_space<semaphore_mem>>
    %dma_start3A_564 = tpu.memref_squeeze %dma_start3A_563 : memref<1x!tpu.dma_semaphore, #tpu.memory_space<semaphore_mem>> -> memref<!tpu.dma_semaphore, #tpu.memory_space<semaphore_mem>>
    tpu.enqueue_indirect_dma source(%dma_start3A_556 : memref<128x128xf32, #tpu.memory_space<vmem>>) target(%dma_start3A_562 : memref<128x128xf32, #tpu.memory_space<vmem_shared>>) offsets(%dma_start3A_559 : memref<128xi32, #tpu.memory_space<vmem>>) semaphore(%dma_start3A_564 : memref<!tpu.dma_semaphore, #tpu.memory_space<semaphore_mem>>) {add = true}
    %dma_wait3A_565 = arith.constant 3 : i32
    %dma_wait3A_566 = arith.constant 3 : i32
    %dma_wait3A_567 = arith.constant 0 : i32
    %dma_wait3A_568 = arith.constant 0 : i32
    %dma_wait3A_569 = tpu.memref_slice %arg6[%dma_wait3A_565, %dma_wait3A_567, %dma_wait3A_568] : memref<4x128x128xf32, #tpu.memory_space<vmem>> -> memref<1x128x128xf32, #tpu.memory_space<vmem>>
    %dma_wait3A_570 = tpu.memref_squeeze %dma_wait3A_569 : memref<1x128x128xf32, #tpu.memory_space<vmem>> -> memref<128x128xf32, #tpu.memory_space<vmem>>
    %dma_wait3A_571 = arith.constant 0 : i32
    %dma_wait3A_572 = tpu.memref_slice %arg2[%add3A_30, %add3A_448, %dma_wait3A_571] : memref<16x4096x128xf32, #tpu.memory_space<hbm>> -> memref<1x128x128xf32, #tpu.memory_space<hbm>>
    %dma_wait3A_573 = tpu.memref_squeeze %dma_wait3A_572 : memref<1x128x128xf32, #tpu.memory_space<hbm>> -> memref<128x128xf32, #tpu.memory_space<hbm>>
    %dma_wait3A_574 = tpu.memref_slice %arg10[%dma_wait3A_566] : memref<4x!tpu.dma_semaphore, #tpu.memory_space<semaphore_mem>> -> memref<1x!tpu.dma_semaphore, #tpu.memory_space<semaphore_mem>>
    %dma_wait3A_575 = tpu.memref_squeeze %dma_wait3A_574 : memref<1x!tpu.dma_semaphore, #tpu.memory_space<semaphore_mem>> -> memref<!tpu.dma_semaphore, #tpu.memory_space<semaphore_mem>>
    %dma_wait3A_576 = arith.constant 0 : i32
    %dma_wait3A_577 = arith.constant 0 : i32
    %dma_wait3A_578 = tpu.memref_slice %arg6[%dma_wait3A_565, %dma_wait3A_576, %dma_wait3A_577] : memref<4x128x128xf32, #tpu.memory_space<vmem>> -> memref<1x128x128xf32, #tpu.memory_space<vmem>>
    %dma_wait3A_579 = tpu.memref_squeeze %dma_wait3A_578 : memref<1x128x128xf32, #tpu.memory_space<vmem>> -> memref<128x128xf32, #tpu.memory_space<vmem>>
    %dma_wait3A_580 = arith.constant 0 : i32
    %dma_wait3A_581 = tpu.memref_slice %arg2[%add3A_30, %add3A_448, %dma_wait3A_580] : memref<16x4096x128xf32, #tpu.memory_space<hbm>> -> memref<1x128x128xf32, #tpu.memory_space<hbm>>
    %dma_wait3A_582 = tpu.memref_squeeze %dma_wait3A_581 : memref<1x128x128xf32, #tpu.memory_space<hbm>> -> memref<128x128xf32, #tpu.memory_space<hbm>>
    tpu.wait_dma2 semaphore(%dma_wait3A_575 : memref<!tpu.dma_semaphore, #tpu.memory_space<semaphore_mem>>) src(%dma_wait3A_582 : memref<128x128xf32, #tpu.memory_space<hbm>>) dst(%dma_wait3A_579 : memref<128x128xf32, #tpu.memory_space<vmem>>)
    %dma_start3A_583 = arith.constant 3 : i32
    %dma_start3A_584 = arith.constant 3 : i32
    %dma_start3A_585 = arith.constant 3 : i32
    %dma_start3A_586 = arith.constant 0 : i32
    %dma_start3A_587 = arith.constant 0 : i32
    %dma_start3A_588 = tpu.memref_slice %arg6[%dma_start3A_583, %dma_start3A_586, %dma_start3A_587] : memref<4x128x128xf32, #tpu.memory_space<vmem>> -> memref<1x128x128xf32, #tpu.memory_space<vmem>>
    %dma_start3A_589 = tpu.memref_squeeze %dma_start3A_588 : memref<1x128x128xf32, #tpu.memory_space<vmem>> -> memref<128x128xf32, #tpu.memory_space<vmem>>
    %dma_start3A_590 = arith.constant 0 : i32
    %dma_start3A_591 = tpu.memref_slice %arg8[%dma_start3A_584, %dma_start3A_590] : memref<4x128xi32, #tpu.memory_space<vmem>> -> memref<1x128xi32, #tpu.memory_space<vmem>>
    %dma_start3A_592 = tpu.memref_squeeze %dma_start3A_591 : memref<1x128xi32, #tpu.memory_space<vmem>> -> memref<128xi32, #tpu.memory_space<vmem>>
    %dma_start3A_593 = arith.constant 0 : i32
    %dma_start3A_594 = arith.constant 0 : i32
    %dma_start3A_595 = tpu.memref_slice %arg9[%dma_start3A_593, %dma_start3A_594] : memref<128x128xf32, #tpu.memory_space<vmem_shared>> -> memref<128x128xf32, #tpu.memory_space<vmem_shared>>
    %dma_start3A_596 = tpu.memref_slice %arg11[%dma_start3A_585] : memref<4x!tpu.dma_semaphore, #tpu.memory_space<semaphore_mem>> -> memref<1x!tpu.dma_semaphore, #tpu.memory_space<semaphore_mem>>
    %dma_start3A_597 = tpu.memref_squeeze %dma_start3A_596 : memref<1x!tpu.dma_semaphore, #tpu.memory_space<semaphore_mem>> -> memref<!tpu.dma_semaphore, #tpu.memory_space<semaphore_mem>>
    tpu.enqueue_indirect_dma source(%dma_start3A_589 : memref<128x128xf32, #tpu.memory_space<vmem>>) target(%dma_start3A_595 : memref<128x128xf32, #tpu.memory_space<vmem_shared>>) offsets(%dma_start3A_592 : memref<128xi32, #tpu.memory_space<vmem>>) semaphore(%dma_start3A_597 : memref<!tpu.dma_semaphore, #tpu.memory_space<semaphore_mem>>) {add = true}
    %dma_wait3A_598 = arith.constant 0 : i32
    %dma_wait3A_599 = arith.constant 0 : i32
    %dma_wait3A_600 = arith.constant 0 : i32
    %dma_wait3A_601 = arith.constant 0 : i32
    %dma_wait3A_602 = arith.constant 0 : i32
    %dma_wait3A_603 = tpu.memref_slice %arg6[%dma_wait3A_598, %dma_wait3A_601, %dma_wait3A_602] : memref<4x128x128xf32, #tpu.memory_space<vmem>> -> memref<1x128x128xf32, #tpu.memory_space<vmem>>
    %dma_wait3A_604 = tpu.memref_squeeze %dma_wait3A_603 : memref<1x128x128xf32, #tpu.memory_space<vmem>> -> memref<128x128xf32, #tpu.memory_space<vmem>>
    %dma_wait3A_605 = arith.constant 0 : i32
    %dma_wait3A_606 = tpu.memref_slice %arg8[%dma_wait3A_599, %dma_wait3A_605] : memref<4x128xi32, #tpu.memory_space<vmem>> -> memref<1x128xi32, #tpu.memory_space<vmem>>
    %dma_wait3A_607 = tpu.memref_squeeze %dma_wait3A_606 : memref<1x128xi32, #tpu.memory_space<vmem>> -> memref<128xi32, #tpu.memory_space<vmem>>
    %dma_wait3A_608 = arith.constant 0 : i32
    %dma_wait3A_609 = arith.constant 0 : i32
    %dma_wait3A_610 = tpu.memref_slice %arg9[%dma_wait3A_608, %dma_wait3A_609] : memref<128x128xf32, #tpu.memory_space<vmem_shared>> -> memref<128x128xf32, #tpu.memory_space<vmem_shared>>
    %dma_wait3A_611 = tpu.memref_slice %arg11[%dma_wait3A_600] : memref<4x!tpu.dma_semaphore, #tpu.memory_space<semaphore_mem>> -> memref<1x!tpu.dma_semaphore, #tpu.memory_space<semaphore_mem>>
    %dma_wait3A_612 = tpu.memref_squeeze %dma_wait3A_611 : memref<1x!tpu.dma_semaphore, #tpu.memory_space<semaphore_mem>> -> memref<!tpu.dma_semaphore, #tpu.memory_space<semaphore_mem>>
    tpu.wait_indirect_dma semaphore(%dma_wait3A_612 : memref<!tpu.dma_semaphore, #tpu.memory_space<semaphore_mem>>) src(%dma_wait3A_604 : memref<128x128xf32, #tpu.memory_space<vmem>>) dst(%dma_wait3A_610 : memref<128x128xf32, #tpu.memory_space<vmem_shared>>)
    %dma_wait3A_613 = arith.constant 1 : i32
    %dma_wait3A_614 = arith.constant 1 : i32
    %dma_wait3A_615 = arith.constant 1 : i32
    %dma_wait3A_616 = arith.constant 0 : i32
    %dma_wait3A_617 = arith.constant 0 : i32
    %dma_wait3A_618 = tpu.memref_slice %arg6[%dma_wait3A_613, %dma_wait3A_616, %dma_wait3A_617] : memref<4x128x128xf32, #tpu.memory_space<vmem>> -> memref<1x128x128xf32, #tpu.memory_space<vmem>>
    %dma_wait3A_619 = tpu.memref_squeeze %dma_wait3A_618 : memref<1x128x128xf32, #tpu.memory_space<vmem>> -> memref<128x128xf32, #tpu.memory_space<vmem>>
    %dma_wait3A_620 = arith.constant 0 : i32
    %dma_wait3A_621 = tpu.memref_slice %arg8[%dma_wait3A_614, %dma_wait3A_620] : memref<4x128xi32, #tpu.memory_space<vmem>> -> memref<1x128xi32, #tpu.memory_space<vmem>>
    %dma_wait3A_622 = tpu.memref_squeeze %dma_wait3A_621 : memref<1x128xi32, #tpu.memory_space<vmem>> -> memref<128xi32, #tpu.memory_space<vmem>>
    %dma_wait3A_623 = arith.constant 0 : i32
    %dma_wait3A_624 = arith.constant 0 : i32
    %dma_wait3A_625 = tpu.memref_slice %arg9[%dma_wait3A_623, %dma_wait3A_624] : memref<128x128xf32, #tpu.memory_space<vmem_shared>> -> memref<128x128xf32, #tpu.memory_space<vmem_shared>>
    %dma_wait3A_626 = tpu.memref_slice %arg11[%dma_wait3A_615] : memref<4x!tpu.dma_semaphore, #tpu.memory_space<semaphore_mem>> -> memref<1x!tpu.dma_semaphore, #tpu.memory_space<semaphore_mem>>
    %dma_wait3A_627 = tpu.memref_squeeze %dma_wait3A_626 : memref<1x!tpu.dma_semaphore, #tpu.memory_space<semaphore_mem>> -> memref<!tpu.dma_semaphore, #tpu.memory_space<semaphore_mem>>
    tpu.wait_indirect_dma semaphore(%dma_wait3A_627 : memref<!tpu.dma_semaphore, #tpu.memory_space<semaphore_mem>>) src(%dma_wait3A_619 : memref<128x128xf32, #tpu.memory_space<vmem>>) dst(%dma_wait3A_625 : memref<128x128xf32, #tpu.memory_space<vmem_shared>>)
    %dma_wait3A_628 = arith.constant 2 : i32
    %dma_wait3A_629 = arith.constant 2 : i32
    %dma_wait3A_630 = arith.constant 2 : i32
    %dma_wait3A_631 = arith.constant 0 : i32
    %dma_wait3A_632 = arith.constant 0 : i32
    %dma_wait3A_633 = tpu.memref_slice %arg6[%dma_wait3A_628, %dma_wait3A_631, %dma_wait3A_632] : memref<4x128x128xf32, #tpu.memory_space<vmem>> -> memref<1x128x128xf32, #tpu.memory_space<vmem>>
    %dma_wait3A_634 = tpu.memref_squeeze %dma_wait3A_633 : memref<1x128x128xf32, #tpu.memory_space<vmem>> -> memref<128x128xf32, #tpu.memory_space<vmem>>
    %dma_wait3A_635 = arith.constant 0 : i32
    %dma_wait3A_636 = tpu.memref_slice %arg8[%dma_wait3A_629, %dma_wait3A_635] : memref<4x128xi32, #tpu.memory_space<vmem>> -> memref<1x128xi32, #tpu.memory_space<vmem>>
    %dma_wait3A_637 = tpu.memref_squeeze %dma_wait3A_636 : memref<1x128xi32, #tpu.memory_space<vmem>> -> memref<128xi32, #tpu.memory_space<vmem>>
    %dma_wait3A_638 = arith.constant 0 : i32
    %dma_wait3A_639 = arith.constant 0 : i32
    %dma_wait3A_640 = tpu.memref_slice %arg9[%dma_wait3A_638, %dma_wait3A_639] : memref<128x128xf32, #tpu.memory_space<vmem_shared>> -> memref<128x128xf32, #tpu.memory_space<vmem_shared>>
    %dma_wait3A_641 = tpu.memref_slice %arg11[%dma_wait3A_630] : memref<4x!tpu.dma_semaphore, #tpu.memory_space<semaphore_mem>> -> memref<1x!tpu.dma_semaphore, #tpu.memory_space<semaphore_mem>>
    %dma_wait3A_642 = tpu.memref_squeeze %dma_wait3A_641 : memref<1x!tpu.dma_semaphore, #tpu.memory_space<semaphore_mem>> -> memref<!tpu.dma_semaphore, #tpu.memory_space<semaphore_mem>>
    tpu.wait_indirect_dma semaphore(%dma_wait3A_642 : memref<!tpu.dma_semaphore, #tpu.memory_space<semaphore_mem>>) src(%dma_wait3A_634 : memref<128x128xf32, #tpu.memory_space<vmem>>) dst(%dma_wait3A_640 : memref<128x128xf32, #tpu.memory_space<vmem_shared>>)
    %dma_wait3A_643 = arith.constant 3 : i32
    %dma_wait3A_644 = arith.constant 3 : i32
    %dma_wait3A_645 = arith.constant 3 : i32
    %dma_wait3A_646 = arith.constant 0 : i32
    %dma_wait3A_647 = arith.constant 0 : i32
    %dma_wait3A_648 = tpu.memref_slice %arg6[%dma_wait3A_643, %dma_wait3A_646, %dma_wait3A_647] : memref<4x128x128xf32, #tpu.memory_space<vmem>> -> memref<1x128x128xf32, #tpu.memory_space<vmem>>
    %dma_wait3A_649 = tpu.memref_squeeze %dma_wait3A_648 : memref<1x128x128xf32, #tpu.memory_space<vmem>> -> memref<128x128xf32, #tpu.memory_space<vmem>>
    %dma_wait3A_650 = arith.constant 0 : i32
    %dma_wait3A_651 = tpu.memref_slice %arg8[%dma_wait3A_644, %dma_wait3A_650] : memref<4x128xi32, #tpu.memory_space<vmem>> -> memref<1x128xi32, #tpu.memory_space<vmem>>
    %dma_wait3A_652 = tpu.memref_squeeze %dma_wait3A_651 : memref<1x128xi32, #tpu.memory_space<vmem>> -> memref<128xi32, #tpu.memory_space<vmem>>
    %dma_wait3A_653 = arith.constant 0 : i32
    %dma_wait3A_654 = arith.constant 0 : i32
    %dma_wait3A_655 = tpu.memref_slice %arg9[%dma_wait3A_653, %dma_wait3A_654] : memref<128x128xf32, #tpu.memory_space<vmem_shared>> -> memref<128x128xf32, #tpu.memory_space<vmem_shared>>
    %dma_wait3A_656 = tpu.memref_slice %arg11[%dma_wait3A_645] : memref<4x!tpu.dma_semaphore, #tpu.memory_space<semaphore_mem>> -> memref<1x!tpu.dma_semaphore, #tpu.memory_space<semaphore_mem>>
    %dma_wait3A_657 = tpu.memref_squeeze %dma_wait3A_656 : memref<1x!tpu.dma_semaphore, #tpu.memory_space<semaphore_mem>> -> memref<!tpu.dma_semaphore, #tpu.memory_space<semaphore_mem>>
    tpu.wait_indirect_dma semaphore(%dma_wait3A_657 : memref<!tpu.dma_semaphore, #tpu.memory_space<semaphore_mem>>) src(%dma_wait3A_649 : memref<128x128xf32, #tpu.memory_space<vmem>>) dst(%dma_wait3A_655 : memref<128x128xf32, #tpu.memory_space<vmem_shared>>)
    %barrier3A_658 = arith.constant 0 : index
    tpu.barrier barrier_id(%barrier3A_658)
    %eq3A_659 = arith.constant 0 : i32
    %eq3A_660 = arith.cmpi eq, %arg1, %eq3A_659 : i32
    %convert_element_type3A_661 = arith.extui %eq3A_660 : i1 to i32
    %cond3A_662 = arith.constant 0 : i32
    %cond3A_663 = arith.cmpi ne, %convert_element_type3A_661, %cond3A_662 : i32
    scf.if %cond3A_663 {
      %mul3A_664 = arith.constant 128 : i32
      %mul3A_665 = arith.muli %arg0, %mul3A_664 : i32
      "tpu.region"() ({
        %run_scoped3A = tpu.sem_alloc : memref<!tpu.dma_semaphore, #tpu.memory_space<semaphore_mem>>
        %dma_start3A_666 = arith.constant 0 : i32
        %dma_start3A_667 = tpu.memref_slice %arg5[%mul3A_665, %dma_start3A_666] : memref<256x128xf32, #tpu.memory_space<hbm>> -> memref<128x128xf32, #tpu.memory_space<hbm>>
        tpu.enqueue_dma source(%arg9 : memref<128x128xf32, #tpu.memory_space<vmem_shared>>) target(%dma_start3A_667 : memref<128x128xf32, #tpu.memory_space<hbm>>) target_semaphore(%run_scoped3A : memref<!tpu.dma_semaphore, #tpu.memory_space<semaphore_mem>>)
        %dma_wait3A_668 = arith.constant 0 : i32
        %dma_wait3A_669 = tpu.memref_slice %arg5[%mul3A_665, %dma_wait3A_668] : memref<256x128xf32, #tpu.memory_space<hbm>> -> memref<128x128xf32, #tpu.memory_space<hbm>>
        tpu.wait_dma2 semaphore(%run_scoped3A : memref<!tpu.dma_semaphore, #tpu.memory_space<semaphore_mem>>) src(%arg9 : memref<128x128xf32, #tpu.memory_space<vmem_shared>>) dst(%dma_wait3A_669 : memref<128x128xf32, #tpu.memory_space<hbm>>)
        tpu.yield
      }) : () -> ()
    } else {
    }
    return
  }
}

module attributes {stable_mosaic.version = 14 : i64} {
  func.func @_head_body(%arg0: memref<16x16x128xf32, #tpu.memory_space<vmem>>, %arg1: memref<16x16x128xf32, #tpu.memory_space<vmem>>, %arg2: memref<16x16x128xf32, #tpu.memory_space<vmem>>, %arg3: memref<128x128xf32, #tpu.memory_space<vmem>>, %arg4: memref<128xf32, #tpu.memory_space<vmem>>, %arg5: memref<128x128xf32, #tpu.memory_space<vmem>>, %arg6: memref<128xf32, #tpu.memory_space<vmem>>, %arg7: memref<128x128xf32, #tpu.memory_space<vmem>>, %arg8: memref<128xf32, #tpu.memory_space<vmem>>, %arg9: memref<128x128xf32, #tpu.memory_space<vmem>>, %arg10: memref<128xf32, #tpu.memory_space<vmem>>, %arg11: memref<128x128xf32, #tpu.memory_space<vmem>>, %arg12: memref<128xf32, #tpu.memory_space<vmem>>, %arg13: memref<128x128xf32, #tpu.memory_space<vmem>>, %arg14: memref<128xf32, #tpu.memory_space<vmem>>, %arg15: memref<2x16x10x128xf32, #tpu.memory_space<vmem>>) attributes {dimension_semantics = [], scalar_prefetch = 0 : i64, scratch_operands = 0 : i64, tpu.core_type = #tpu.core_type<tc>} {
    %get3A = arith.constant 0 : index
    %get3A_0 = arith.constant 0 : index
    %get3A_1 = arith.constant 0 : index
    %get3A_2 = vector.load %arg0[%get3A, %get3A_0, %get3A_1] : memref<16x16x128xf32, #tpu.memory_space<vmem>>, vector<16x16x128xf32>
    %reshape3A = vector.shape_cast %get3A_2 : vector<16x16x128xf32> to vector<256x128xf32>
    %get3A_3 = arith.constant 0 : index
    %get3A_4 = arith.constant 0 : index
    %get3A_5 = arith.constant 0 : index
    %get3A_6 = vector.load %arg1[%get3A_3, %get3A_4, %get3A_5] : memref<16x16x128xf32, #tpu.memory_space<vmem>>, vector<16x16x128xf32>
    %reshape3A_7 = vector.shape_cast %get3A_6 : vector<16x16x128xf32> to vector<256x128xf32>
    %add3A = arith.addf %reshape3A, %reshape3A_7 : vector<256x128xf32>
    %get3A_8 = arith.constant 0 : index
    %get3A_9 = arith.constant 0 : index
    %get3A_10 = arith.constant 0 : index
    %get3A_11 = vector.load %arg2[%get3A_8, %get3A_9, %get3A_10] : memref<16x16x128xf32, #tpu.memory_space<vmem>>, vector<16x16x128xf32>
    %reshape3A_12 = vector.shape_cast %get3A_11 : vector<16x16x128xf32> to vector<256x128xf32>
    %max3A = arith.constant 1.000000e-30 : f32
    %max3A_13 = vector.broadcast %max3A : f32 to vector<256x128xf32>
    %max3A_14 = arith.maximumf %reshape3A_12, %max3A_13 : vector<256x128xf32>
    %div3A = arith.divf %add3A, %max3A_14 : vector<256x128xf32>
    %get3A_15 = arith.constant 0 : index
    %get3A_16 = arith.constant 0 : index
    %get3A_17 = vector.load %arg3[%get3A_15, %get3A_16] : memref<128x128xf32, #tpu.memory_space<vmem>>, vector<128x128xf32>
    %dot_general3A = arith.constant dense<0.000000e+00> : vector<256x128xf32>
    %dot_general3A_18 = tpu.matmul %div3A, %get3A_17, %dot_general3A {dimension_numbers = #tpu.dot_dimension_numbers<[1], [0], [0], [1], [0, 0, 1, 1], [], []>, transpose_lhs_hint = false} : vector<256x128xf32>, vector<128x128xf32>, vector<256x128xf32> -> vector<256x128xf32>
    %get3A_19 = arith.constant 0 : index
    %get3A_20 = vector.load %arg4[%get3A_19] : memref<128xf32, #tpu.memory_space<vmem>>, vector<128xf32>
    %broadcast_in_dim3A = vector.shape_cast %get3A_20 : vector<128xf32> to vector<1x128xf32>
    %add3A_21 = vector.broadcast %broadcast_in_dim3A : vector<1x128xf32> to vector<256x128xf32>
    %add3A_22 = arith.addf %dot_general3A_18, %add3A_21 : vector<256x128xf32>
    %max3A_23 = arith.constant 0.000000e+00 : f32
    %max3A_24 = vector.broadcast %max3A_23 : f32 to vector<256x128xf32>
    %max3A_25 = arith.maximumf %add3A_22, %max3A_24 : vector<256x128xf32>
    %get3A_26 = arith.constant 0 : index
    %get3A_27 = arith.constant 0 : index
    %get3A_28 = vector.load %arg5[%get3A_26, %get3A_27] : memref<128x128xf32, #tpu.memory_space<vmem>>, vector<128x128xf32>
    %dot_general3A_29 = arith.constant dense<0.000000e+00> : vector<256x128xf32>
    %dot_general3A_30 = tpu.matmul %max3A_25, %get3A_28, %dot_general3A_29 {dimension_numbers = #tpu.dot_dimension_numbers<[1], [0], [0], [1], [0, 0, 1, 1], [], []>, transpose_lhs_hint = false} : vector<256x128xf32>, vector<128x128xf32>, vector<256x128xf32> -> vector<256x128xf32>
    %get3A_31 = arith.constant 0 : index
    %get3A_32 = vector.load %arg6[%get3A_31] : memref<128xf32, #tpu.memory_space<vmem>>, vector<128xf32>
    %broadcast_in_dim3A_33 = vector.shape_cast %get3A_32 : vector<128xf32> to vector<1x128xf32>
    %add3A_34 = vector.broadcast %broadcast_in_dim3A_33 : vector<1x128xf32> to vector<256x128xf32>
    %add3A_35 = arith.addf %dot_general3A_30, %add3A_34 : vector<256x128xf32>
    %max3A_36 = arith.constant 0.000000e+00 : f32
    %max3A_37 = vector.broadcast %max3A_36 : f32 to vector<256x128xf32>
    %max3A_38 = arith.maximumf %add3A_35, %max3A_37 : vector<256x128xf32>
    %get3A_39 = arith.constant 0 : index
    %get3A_40 = arith.constant 0 : index
    %get3A_41 = vector.load %arg7[%get3A_39, %get3A_40] : memref<128x128xf32, #tpu.memory_space<vmem>>, vector<128x128xf32>
    %dot_general3A_42 = arith.constant dense<0.000000e+00> : vector<256x128xf32>
    %dot_general3A_43 = tpu.matmul %max3A_38, %get3A_41, %dot_general3A_42 {dimension_numbers = #tpu.dot_dimension_numbers<[1], [0], [0], [1], [0, 0, 1, 1], [], []>, transpose_lhs_hint = false} : vector<256x128xf32>, vector<128x128xf32>, vector<256x128xf32> -> vector<256x128xf32>
    %get3A_44 = arith.constant 0 : index
    %get3A_45 = vector.load %arg8[%get3A_44] : memref<128xf32, #tpu.memory_space<vmem>>, vector<128xf32>
    %broadcast_in_dim3A_46 = vector.shape_cast %get3A_45 : vector<128xf32> to vector<1x128xf32>
    %add3A_47 = vector.broadcast %broadcast_in_dim3A_46 : vector<1x128xf32> to vector<256x128xf32>
    %add3A_48 = arith.addf %dot_general3A_43, %add3A_47 : vector<256x128xf32>
    %logistic3A = arith.negf %add3A_48 : vector<256x128xf32>
    %logistic3A_49 = math.exp %logistic3A : vector<256x128xf32>
    %logistic3A_50 = arith.constant 1.000000e+00 : f32
    %logistic3A_51 = vector.broadcast %logistic3A_50 : f32 to vector<256x128xf32>
    %logistic3A_52 = arith.addf %logistic3A_51, %logistic3A_49 : vector<256x128xf32>
    %logistic3A_53 = arith.divf %logistic3A_51, %logistic3A_52 : vector<256x128xf32>
    %mul3A = arith.constant 2.000000e+00 : f32
    %mul3A_54 = vector.broadcast %mul3A : f32 to vector<256x128xf32>
    %mul3A_55 = arith.mulf %logistic3A_53, %mul3A_54 : vector<256x128xf32>
    %sub3A = arith.constant 1.000000e+00 : f32
    %sub3A_56 = vector.broadcast %sub3A : f32 to vector<256x128xf32>
    %sub3A_57 = arith.subf %mul3A_55, %sub3A_56 : vector<256x128xf32>
    %reshape3A_58 = vector.shape_cast %sub3A_57 : vector<256x128xf32> to vector<16x16x128xf32>
    %slice3A = vector.extract_strided_slice %reshape3A_58 {offsets = [0, 0, 0], sizes = [16, 10, 128], strides = [1, 1, 1]} : vector<16x16x128xf32> to vector<16x10x128xf32>
    %swap3A = arith.constant 0 : index
    %swap3A_59 = arith.constant 0 : index
    %swap3A_60 = arith.constant 0 : index
    %swap3A_61 = arith.constant 0 : index
    %swap3A_62 = vector.load %arg15[%swap3A, %swap3A_59, %swap3A_60, %swap3A_61] : memref<2x16x10x128xf32, #tpu.memory_space<vmem>>, vector<1x16x10x128xf32>
    %swap3A_63 = vector.shape_cast %swap3A_62 : vector<1x16x10x128xf32> to vector<16x10x128xf32>
    %swap3A_64 = vector.shape_cast %slice3A : vector<16x10x128xf32> to vector<1x16x10x128xf32>
    tpu.vector_store %arg15[%swap3A, %swap3A_59, %swap3A_60, %swap3A_61], %swap3A_64 {strides = array<i32>} : memref<2x16x10x128xf32, #tpu.memory_space<vmem>>, vector<1x16x10x128xf32>,
    %get3A_65 = arith.constant 0 : index
    %get3A_66 = arith.constant 0 : index
    %get3A_67 = vector.load %arg9[%get3A_65, %get3A_66] : memref<128x128xf32, #tpu.memory_space<vmem>>, vector<128x128xf32>
    %dot_general3A_68 = arith.constant dense<0.000000e+00> : vector<256x128xf32>
    %dot_general3A_69 = tpu.matmul %div3A, %get3A_67, %dot_general3A_68 {dimension_numbers = #tpu.dot_dimension_numbers<[1], [0], [0], [1], [0, 0, 1, 1], [], []>, transpose_lhs_hint = false} : vector<256x128xf32>, vector<128x128xf32>, vector<256x128xf32> -> vector<256x128xf32>
    %get3A_70 = arith.constant 0 : index
    %get3A_71 = vector.load %arg10[%get3A_70] : memref<128xf32, #tpu.memory_space<vmem>>, vector<128xf32>
    %broadcast_in_dim3A_72 = vector.shape_cast %get3A_71 : vector<128xf32> to vector<1x128xf32>
    %add3A_73 = vector.broadcast %broadcast_in_dim3A_72 : vector<1x128xf32> to vector<256x128xf32>
    %add3A_74 = arith.addf %dot_general3A_69, %add3A_73 : vector<256x128xf32>
    %max3A_75 = arith.constant 0.000000e+00 : f32
    %max3A_76 = vector.broadcast %max3A_75 : f32 to vector<256x128xf32>
    %max3A_77 = arith.maximumf %add3A_74, %max3A_76 : vector<256x128xf32>
    %get3A_78 = arith.constant 0 : index
    %get3A_79 = arith.constant 0 : index
    %get3A_80 = vector.load %arg11[%get3A_78, %get3A_79] : memref<128x128xf32, #tpu.memory_space<vmem>>, vector<128x128xf32>
    %dot_general3A_81 = arith.constant dense<0.000000e+00> : vector<256x128xf32>
    %dot_general3A_82 = tpu.matmul %max3A_77, %get3A_80, %dot_general3A_81 {dimension_numbers = #tpu.dot_dimension_numbers<[1], [0], [0], [1], [0, 0, 1, 1], [], []>, transpose_lhs_hint = false} : vector<256x128xf32>, vector<128x128xf32>, vector<256x128xf32> -> vector<256x128xf32>
    %get3A_83 = arith.constant 0 : index
    %get3A_84 = vector.load %arg12[%get3A_83] : memref<128xf32, #tpu.memory_space<vmem>>, vector<128xf32>
    %broadcast_in_dim3A_85 = vector.shape_cast %get3A_84 : vector<128xf32> to vector<1x128xf32>
    %add3A_86 = vector.broadcast %broadcast_in_dim3A_85 : vector<1x128xf32> to vector<256x128xf32>
    %add3A_87 = arith.addf %dot_general3A_82, %add3A_86 : vector<256x128xf32>
    %max3A_88 = arith.constant 0.000000e+00 : f32
    %max3A_89 = vector.broadcast %max3A_88 : f32 to vector<256x128xf32>
    %max3A_90 = arith.maximumf %add3A_87, %max3A_89 : vector<256x128xf32>
    %get3A_91 = arith.constant 0 : index
    %get3A_92 = arith.constant 0 : index
    %get3A_93 = vector.load %arg13[%get3A_91, %get3A_92] : memref<128x128xf32, #tpu.memory_space<vmem>>, vector<128x128xf32>
    %dot_general3A_94 = arith.constant dense<0.000000e+00> : vector<256x128xf32>
    %dot_general3A_95 = tpu.matmul %max3A_90, %get3A_93, %dot_general3A_94 {dimension_numbers = #tpu.dot_dimension_numbers<[1], [0], [0], [1], [0, 0, 1, 1], [], []>, transpose_lhs_hint = false} : vector<256x128xf32>, vector<128x128xf32>, vector<256x128xf32> -> vector<256x128xf32>
    %get3A_96 = arith.constant 0 : index
    %get3A_97 = vector.load %arg14[%get3A_96] : memref<128xf32, #tpu.memory_space<vmem>>, vector<128xf32>
    %broadcast_in_dim3A_98 = vector.shape_cast %get3A_97 : vector<128xf32> to vector<1x128xf32>
    %add3A_99 = vector.broadcast %broadcast_in_dim3A_98 : vector<1x128xf32> to vector<256x128xf32>
    %add3A_100 = arith.addf %dot_general3A_95, %add3A_99 : vector<256x128xf32>
    %logistic3A_101 = arith.negf %add3A_100 : vector<256x128xf32>
    %logistic3A_102 = math.exp %logistic3A_101 : vector<256x128xf32>
    %logistic3A_103 = arith.constant 1.000000e+00 : f32
    %logistic3A_104 = vector.broadcast %logistic3A_103 : f32 to vector<256x128xf32>
    %logistic3A_105 = arith.addf %logistic3A_104, %logistic3A_102 : vector<256x128xf32>
    %logistic3A_106 = arith.divf %logistic3A_104, %logistic3A_105 : vector<256x128xf32>
    %mul3A_107 = arith.constant 2.000000e+00 : f32
    %mul3A_108 = vector.broadcast %mul3A_107 : f32 to vector<256x128xf32>
    %mul3A_109 = arith.mulf %logistic3A_106, %mul3A_108 : vector<256x128xf32>
    %sub3A_110 = arith.constant 1.000000e+00 : f32
    %sub3A_111 = vector.broadcast %sub3A_110 : f32 to vector<256x128xf32>
    %sub3A_112 = arith.subf %mul3A_109, %sub3A_111 : vector<256x128xf32>
    %reshape3A_113 = vector.shape_cast %sub3A_112 : vector<256x128xf32> to vector<16x16x128xf32>
    %slice3A_114 = vector.extract_strided_slice %reshape3A_113 {offsets = [0, 0, 0], sizes = [16, 10, 128], strides = [1, 1, 1]} : vector<16x16x128xf32> to vector<16x10x128xf32>
    %swap3A_115 = arith.constant 1 : index
    %swap3A_116 = arith.constant 0 : index
    %swap3A_117 = arith.constant 0 : index
    %swap3A_118 = arith.constant 0 : index
    %swap3A_119 = vector.load %arg15[%swap3A_115, %swap3A_116, %swap3A_117, %swap3A_118] : memref<2x16x10x128xf32, #tpu.memory_space<vmem>>, vector<1x16x10x128xf32>
    %swap3A_120 = vector.shape_cast %swap3A_119 : vector<1x16x10x128xf32> to vector<16x10x128xf32>
    %swap3A_121 = vector.shape_cast %slice3A_114 : vector<16x10x128xf32> to vector<1x16x10x128xf32>
    tpu.vector_store %arg15[%swap3A_115, %swap3A_116, %swap3A_117, %swap3A_118], %swap3A_121 {strides = array<i32>} : memref<2x16x10x128xf32, #tpu.memory_space<vmem>>, vector<1x16x10x128xf32>,
    return
  }
}

module attributes {stable_mosaic.version = 14 : i64} {
  func.func @_partial_body(%arg0: i32, %arg1: i32, %arg2: memref<1x1024x128xf32, #tpu.memory_space<vmem>>, %arg3: memref<1x1x1024xi32, #tpu.memory_space<vmem>>, %arg4: memref<1x16x128xf32, #tpu.memory_space<vmem>>, %arg5: memref<1x16x128xf32, #tpu.memory_space<vmem>>) attributes {dimension_semantics = [#tpu.dimension_semantics<arbitrary>, #tpu.dimension_semantics<arbitrary>], iteration_bounds = array<i64: 16, 4>, scalar_prefetch = 0 : i64, scratch_operands = 0 : i64, tpu.core_type = #tpu.core_type<tc>, window_params = [{transform_indices = @transform_0, window_bounds = array<i64: 1, 1024, 128>}, {transform_indices = @transform_1, window_bounds = array<i64: 1, 1, 1024>}, {transform_indices = @transform_2, window_bounds = array<i64: 1, 16, 128>}, {transform_indices = @transform_3, window_bounds = array<i64: 1, 16, 128>}]} {
    %get3A = arith.constant 0 : index
    %get3A_0 = arith.constant 0 : index
    %get3A_1 = arith.constant 0 : index
    %get3A_2 = vector.load %arg3[%get3A, %get3A_0, %get3A_1] : memref<1x1x1024xi32, #tpu.memory_space<vmem>>, vector<1x1x1024xi32>
    %get3A_3 = vector.shape_cast %get3A_2 : vector<1x1x1024xi32> to vector<1024xi32>
    %iota3A = tpu.iota {dimensions = array<i32: 0>} : vector<16x1024xi32>
    %broadcast_in_dim3A = vector.shape_cast %get3A_3 : vector<1024xi32> to vector<1x1024xi32>
    %eq3A = vector.broadcast %broadcast_in_dim3A : vector<1x1024xi32> to vector<16x1024xi32>
    %eq3A_4 = arith.cmpi eq, %iota3A, %eq3A : vector<16x1024xi32>
    %convert_element_type3A = arith.extui %eq3A_4 : vector<16x1024xi1> to vector<16x1024xi32>
    %convert_element_type3A_5 = arith.sitofp %convert_element_type3A : vector<16x1024xi32> to vector<16x1024xf32>
    %reduce_sum3A = arith.constant dense<0.000000e+00> : vector<16xf32>
    %reduce_sum3A_6 = vector.multi_reduction <add>, %convert_element_type3A_5, %reduce_sum3A [1] : vector<16x1024xf32> to vector<16xf32>
    %broadcast_in_dim3A_7 = vector.shape_cast %reduce_sum3A_6 : vector<16xf32> to vector<16x1xf32>
    %broadcast_in_dim3A_8 = arith.constant 1.000000e+00 : f32
    %broadcast_in_dim3A_9 = vector.broadcast %broadcast_in_dim3A_8 : f32 to vector<1x128xf32>
    %mul3A = vector.broadcast %broadcast_in_dim3A_7 : vector<16x1xf32> to vector<16x128xf32>
    %mul3A_10 = vector.broadcast %broadcast_in_dim3A_9 : vector<1x128xf32> to vector<16x128xf32>
    %mul3A_11 = arith.mulf %mul3A, %mul3A_10 : vector<16x128xf32>
    %eq3A_12 = arith.constant 0 : i32
    %eq3A_13 = arith.cmpi eq, %arg1, %eq3A_12 : i32
    %convert_element_type3A_14 = arith.extui %eq3A_13 : i1 to i32
    %cond3A = arith.constant 0 : i32
    %cond3A_15 = arith.cmpi ne, %convert_element_type3A_14, %cond3A : i32
    scf.if %cond3A_15 {
      %broadcast_in_dim3A_30 = arith.constant 0.000000e+00 : f32
      %broadcast_in_dim3A_31 = vector.broadcast %broadcast_in_dim3A_30 : f32 to vector<16x128xf32>
      %swap3A_32 = arith.constant 0 : index
      %swap3A_33 = arith.constant 0 : index
      %swap3A_34 = arith.constant 0 : index
      %swap3A_35 = vector.load %arg4[%swap3A_32, %swap3A_33, %swap3A_34] : memref<1x16x128xf32, #tpu.memory_space<vmem>>, vector<1x16x128xf32>
      %swap3A_36 = vector.shape_cast %swap3A_35 : vector<1x16x128xf32> to vector<16x128xf32>
      %swap3A_37 = vector.shape_cast %broadcast_in_dim3A_31 : vector<16x128xf32> to vector<1x16x128xf32>
      tpu.vector_store %arg4[%swap3A_32, %swap3A_33, %swap3A_34], %swap3A_37 {strides = array<i32>} : memref<1x16x128xf32, #tpu.memory_space<vmem>>, vector<1x16x128xf32>,
      %broadcast_in_dim3A_38 = arith.constant 0.000000e+00 : f32
      %broadcast_in_dim3A_39 = vector.broadcast %broadcast_in_dim3A_38 : f32 to vector<16x128xf32>
      %swap3A_40 = arith.constant 0 : index
      %swap3A_41 = arith.constant 0 : index
      %swap3A_42 = arith.constant 0 : index
      %swap3A_43 = vector.load %arg5[%swap3A_40, %swap3A_41, %swap3A_42] : memref<1x16x128xf32, #tpu.memory_space<vmem>>, vector<1x16x128xf32>
      %swap3A_44 = vector.shape_cast %swap3A_43 : vector<1x16x128xf32> to vector<16x128xf32>
      %swap3A_45 = vector.shape_cast %broadcast_in_dim3A_39 : vector<16x128xf32> to vector<1x16x128xf32>
      tpu.vector_store %arg5[%swap3A_40, %swap3A_41, %swap3A_42], %swap3A_45 {strides = array<i32>} : memref<1x16x128xf32, #tpu.memory_space<vmem>>, vector<1x16x128xf32>,
    } else {
    }
    %get3A_16 = arith.constant 0 : index
    %get3A_17 = arith.constant 0 : index
    %get3A_18 = arith.constant 0 : index
    %get3A_19 = vector.load %arg5[%get3A_16, %get3A_17, %get3A_18] : memref<1x16x128xf32, #tpu.memory_space<vmem>>, vector<1x16x128xf32>
    %get3A_20 = vector.shape_cast %get3A_19 : vector<1x16x128xf32> to vector<16x128xf32>
    %add3A = arith.addf %get3A_20, %mul3A_11 : vector<16x128xf32>
    %swap3A = arith.constant 0 : index
    %swap3A_21 = arith.constant 0 : index
    %swap3A_22 = arith.constant 0 : index
    %swap3A_23 = vector.load %arg5[%swap3A, %swap3A_21, %swap3A_22] : memref<1x16x128xf32, #tpu.memory_space<vmem>>, vector<1x16x128xf32>
    %swap3A_24 = vector.shape_cast %swap3A_23 : vector<1x16x128xf32> to vector<16x128xf32>
    %swap3A_25 = vector.shape_cast %add3A : vector<16x128xf32> to vector<1x16x128xf32>
    tpu.vector_store %arg5[%swap3A, %swap3A_21, %swap3A_22], %swap3A_25 {strides = array<i32>} : memref<1x16x128xf32, #tpu.memory_space<vmem>>, vector<1x16x128xf32>,
    %ge3A = arith.constant 1 : i32
    %ge3A_26 = arith.cmpi sge, %arg1, %ge3A : i32
    %convert_element_type3A_27 = arith.extui %ge3A_26 : i1 to i32
    %cond3A_28 = arith.constant 0 : i32
    %cond3A_29 = arith.cmpi ne, %convert_element_type3A_27, %cond3A_28 : i32
    scf.if %cond3A_29 {
      %get3A_30 = arith.constant 0 : index
      %get3A_31 = arith.constant 0 : index
      %get3A_32 = arith.constant 0 : index
      %get3A_33 = vector.load %arg4[%get3A_30, %get3A_31, %get3A_32] : memref<1x16x128xf32, #tpu.memory_space<vmem>>, vector<1x16x128xf32>
      %get3A_34 = vector.shape_cast %get3A_33 : vector<1x16x128xf32> to vector<16x128xf32>
      %get3A_35 = arith.constant 0 : index
      %get3A_36 = arith.constant 0 : index
      %get3A_37 = arith.constant 0 : index
      %get3A_38 = vector.load %arg2[%get3A_35, %get3A_36, %get3A_37] : memref<1x1024x128xf32, #tpu.memory_space<vmem>>, vector<1x1024x128xf32>
      %get3A_39 = vector.shape_cast %get3A_38 : vector<1x1024x128xf32> to vector<1024x128xf32>
      %dot_general3A = arith.constant dense<0.000000e+00> : vector<16x128xf32>
      %dot_general3A_40 = tpu.matmul %convert_element_type3A_5, %get3A_39, %dot_general3A {dimension_numbers = #tpu.dot_dimension_numbers<[1], [0], [0], [1], [0, 0, 1, 1], [], []>, transpose_lhs_hint = false} : vector<16x1024xf32>, vector<1024x128xf32>, vector<16x128xf32> -> vector<16x128xf32>
      %add3A_41 = arith.addf %get3A_34, %dot_general3A_40 : vector<16x128xf32>
      %swap3A_42 = arith.constant 0 : index
      %swap3A_43 = arith.constant 0 : index
      %swap3A_44 = arith.constant 0 : index
      %swap3A_45 = vector.load %arg4[%swap3A_42, %swap3A_43, %swap3A_44] : memref<1x16x128xf32, #tpu.memory_space<vmem>>, vector<1x16x128xf32>
      %swap3A_46 = vector.shape_cast %swap3A_45 : vector<1x16x128xf32> to vector<16x128xf32>
      %swap3A_47 = vector.shape_cast %add3A_41 : vector<16x128xf32> to vector<1x16x128xf32>
      tpu.vector_store %arg4[%swap3A_42, %swap3A_43, %swap3A_44], %swap3A_47 {strides = array<i32>} : memref<1x16x128xf32, #tpu.memory_space<vmem>>, vector<1x16x128xf32>,
    } else {
    }
    return
  }
  func.func @transform_0(%arg0: i32, %arg1: i32) -> (i32, i32, i32) {
    %max3A = arith.constant 1 : i32
    %max3A_0 = arith.maxsi %arg1, %max3A : i32
    %c0_i32 = arith.constant 0 : i32
    %c0_i32_1 = arith.constant 0 : i32
    return %arg0, %max3A_0, %c0_i32 : i32, i32, i32
  }
  func.func @transform_1(%arg0: i32, %arg1: i32) -> (i32, i32, i32) {
    %c0_i32 = arith.constant 0 : i32
    %c0_i32_0 = arith.constant 0 : i32
    return %arg0, %c0_i32, %arg1 : i32, i32, i32
  }
  func.func @transform_2(%arg0: i32, %arg1: i32) -> (i32, i32, i32) {
    %c0_i32 = arith.constant 0 : i32
    %c0_i32_0 = arith.constant 0 : i32
    %c0_i32_1 = arith.constant 0 : i32
    return %arg0, %c0_i32, %c0_i32_0 : i32, i32, i32
  }
  func.func @transform_3(%arg0: i32, %arg1: i32) -> (i32, i32, i32) {
    %c0_i32 = arith.constant 0 : i32
    %c0_i32_0 = arith.constant 0 : i32
    %c0_i32_1 = arith.constant 0 : i32
    return %arg0, %c0_i32, %c0_i32_0 : i32, i32, i32
  }
}

</mosaic_0001>

<sc_bundles>
// kernel: _run.5.cloned.1.call-start
scs
__scs_entry_jumppad:
0x0: {  	(pc) =	sbr.rel $0x88, $3  }
0x1: {  	(tag) =	ssettag $0x0;
	lr =	simm.s32 $0x1  }
0x2: {  	[smem:$0x3F93] =	sst lr;
	_ =	strace $0xD0000000  }
0x3: {  	_ = 	snop  }
0x4: {  	_ = 	snop  }
0x5: {  	_ = 	snop  }
0x6: {  	_ = 	snop  }
0x7: {  	_ = 	snop  }
__scs_overlays_trampoline_lowered:
0x8: {  	[smem:$0x3FA2] =	sst s0  }
0x9: {  	[smem:$0x3FA3] =	sst s1  }
0xa: {  	[smem:$0x3FA4] =	sst s2  }
0xb: {  	[smem:$0x3FA5] =	sst s3  }
0xc: {  	[smem:$0x3FA6] =	sst s4  }
0xd: {  	[smem:$0x3FA7] =	sst s5  }
0xe: {  	[smem:$0x3FA8] =	sst s6  }
0xf: {  	[smem:$0x3FA9] =	sst s7  }
0x10: {  	[smem:$0x3FAA] =	sst s8  }
0x11: {  	[smem:$0x3FAB] =	sst s9;
	s0 =	simm.s32 @!p0 $0x0  }
0x12: {  	s1 =	sld [smem:$0x3F91];
	s0 =	simm.s32 @p0 $0x1  }
0x13: {  	[smem:$0x3FAC] =	sst s0;
	s0 =	simm.s32 @!p1 $0x0  }
0x14: {  	s2 =	sld [smem:$0x3F90];
	s0 =	simm.s32 @p1 $0x1  }
0x15: {  	[smem:$0x3FAD] =	sst s0;
	s0 =	simm.s32 @!p2 $0x0  }
0x16: {  	s3 =	sld [smem:$0x3FDB];
	s0 =	simm.s32 @p2 $0x1  }
0x17: {  	s4 =	simm.s32 $0x1BF5;
	[smem:$0x3FAF] =	sst s0  }
0x18: {  	s0 =	sld [smem:$0x3F92];
	_ =	swait.ge [sflag:s4], $0x0  }
0x19: {  	s7 =	sld [smem:$0x3F93]  }
0x1a: {  	s8 =	sadd.s32 $0xFFFFE003, lr  }
0x1b: {  	s9 =	sadd.s32 $0xFFFFFEF7, lr;
	s5 =	simm.s32 $0xFFFFFFFF;
	p2 =	slt.u32 s8, $0xFFFFF086  }
0x1c: {  	p1 =	slt.u32 s9, $0xF7A;
	s5 =	simm.s32 @!p2 $0x0  }
0x1d: {  	s5 =	simm.s32 @p1 $0x1;
	p0 =	seq.s32 s7, s2  }
0x1e: {  	s7 =	smul.u32 @!p0 $0xF7A, s2;
	p2 =	seq.s32 @!p0 s5, $0x0  }
0x1f: {  	s9 =	smul.u32 $0xF7A, s1;
	s8 =	simm.s32 @!p0 $0x1BF5;
	p2 =	por !p2, p0  }
0x20: {  	[sflag:s8] =	ssyncset.s32 @!p0 $0xFFFFF086;
	s6 =	sadd.s32 @!p0 s3, s7;
	s7 =	simm.s32 @!p0 $0x108  }
0x21: {  	s3 =	sadd.s32 s3, s9;
	s6 =	sadd.s32 @!p0 $0x88, s6;
	s7 =	simm.s32 @p2 $0x1082  }
0x22: {  	[simem:s7], [sflag:s8] =	dma.local @!p0 [hbm:s6], $0xF7A  }
0x23: {  	s9 =	sor.u32 $0xD0000000, s2;
	s6 =	simm.s32 $0x108;
	_ =	swait.ge @!p0 [sflag:s8], $0x0  }
0x24: {  	s3 =	sadd.s32 $0x88, s3;
	s6 =	simm.s32 @!p1 $0x1082;
	[sflag:s4] =	ssyncset.s32 $0xFFFFF086  }
0x25: {  	[simem:s6], [sflag:s4] =	dma.local [hbm:s3], $0xF7A  }
0x26: {  	[smem:$0x3F93] =	sst s1;
	(tag) =	ssettag s2;
	_ =	strace s9  }
0x27: {  	s1 =	sld [smem:$0x3FA3]  }
0x28: {  	s2 =	sld [smem:$0x3FA4]  }
0x29: {  	s4 =	sld [smem:$0x3FA6]  }
0x2a: {  	p0 =	seq.s32 s5, $0x0;
	s5 =	sld [smem:$0x3FA7]  }
0x2b: {  	s6 =	sld [smem:$0x3FA8]  }
0x2c: {  	s7 =	sld [smem:$0x3FA9]  }
0x2d: {  	s3 =	simm.s32 $0x108;
	s8 =	sld [smem:$0x3FAA]  }
0x2e: {  	s3 =	simm.s32 @!p0 $0x1082;
	s9 =	sld [smem:$0x3FAB]  }
0x2f: {  	lr =	sadd.s32 s0, s3;
	s0 =	sld [smem:$0x3FA2]  }
0x30: {  	s3 =	sld [smem:$0x3FA5]  }
0x31: {  	[smem:$0x3FAE] =	sst s10  }
0x32: {  	s10 =	sld [smem:$0x3FAC];
	_ =	sdelay $0x3  }
0x33: {  	p0 =	seq.s32 s10, $0x1;
	s10 =	sld [smem:$0x3FAE];
	_ =	sdelay $0x3  }
0x34: {  	[smem:$0x3FAE] =	sst s10  }
0x35: {  	s10 =	sld [smem:$0x3FAD];
	_ =	sdelay $0x3  }
0x36: {  	p1 =	seq.s32 s10, $0x1;
	s10 =	sld [smem:$0x3FAE];
	_ =	sdelay $0x3  }
0x37: {  	[smem:$0x3FAE] =	sst s10  }
0x38: {  	s10 =	sld [smem:$0x3FAF]  }
0x39: {  	_ = 	snop;
	(pc) =	sbr.ind lr, $3  }
0x3a: {  	_ = 	snop  }
0x3b: {  	_ = 	snop  }
0x3c: {  	p2 =	seq.s32 s10, $0x1;
	s10 =	sld [smem:$0x3FAE]  }
0x3d: {  	_ =	shalt  }
0x3e: {  	_ =	shalt  }
0x3f: {  	_ =	shalt  }
0x40: {  	_ =	shalt  }
0x41: {  	_ =	shalt  }
0x42: {  	_ =	shalt  }
0x43: {  	_ =	shalt  }
0x44: {  	_ =	shalt  }
0x45: {  	_ =	shalt  }
0x46: {  	_ =	shalt  }
0x47: {  	_ =	shalt  }
0x48: {  	_ =	shalt  }
0x49: {  	_ =	shalt  }
0x4a: {  	_ =	shalt  }
0x4b: {  	_ =	shalt  }
0x4c: {  	_ =	shalt  }
0x4d: {  	_ =	shalt  }
0x4e: {  	_ =	shalt  }
0x4f: {  	_ =	shalt  }
0x50: {  	_ =	shalt  }
0x51: {  	_ =	shalt  }
0x52: {  	_ =	shalt  }
0x53: {  	_ =	shalt  }
0x54: {  	_ =	shalt  }
0x55: {  	_ =	shalt  }
0x56: {  	_ =	shalt  }
0x57: {  	_ =	shalt  }
0x58: {  	_ =	shalt  }
0x59: {  	_ =	shalt  }
0x5a: {  	_ =	shalt  }
0x5b: {  	_ =	shalt  }
0x5c: {  	_ =	shalt  }
0x5d: {  	_ =	shalt  }
0x5e: {  	_ =	shalt  }
0x5f: {  	_ =	shalt  }
0x60: {  	_ =	shalt  }
0x61: {  	_ =	shalt  }
0x62: {  	_ =	shalt  }
0x63: {  	_ =	shalt  }
0x64: {  	_ =	shalt  }
0x65: {  	_ =	shalt  }
0x66: {  	_ =	shalt  }
0x67: {  	_ =	shalt  }
0x68: {  	_ =	shalt  }
0x69: {  	_ =	shalt  }
0x6a: {  	_ =	shalt  }
0x6b: {  	_ =	shalt  }
0x6c: {  	_ =	shalt  }
0x6d: {  	_ =	shalt  }
0x6e: {  	_ =	shalt  }
0x6f: {  	_ =	shalt  }
0x70: {  	_ =	shalt  }
0x71: {  	_ =	shalt  }
0x72: {  	_ =	shalt  }
0x73: {  	_ =	shalt  }
0x74: {  	_ =	shalt  }
0x75: {  	_ =	shalt  }
0x76: {  	_ =	shalt  }
0x77: {  	_ =	shalt  }
0x78: {  	_ =	shalt  }
0x79: {  	_ =	shalt  }
0x7a: {  	_ =	shalt  }
0x7b: {  	_ =	shalt  }
0x7c: {  	_ =	shalt  }
0x7d: {  	_ =	shalt  }
0x7e: {  	_ =	shalt  }
0x7f: {  	_ =	shalt  }
0x80: {  	_ =	shalt  }
0x81: {  	_ =	shalt  }
0x82: {  	_ =	shalt  }
0x83: {  	_ =	shalt  }
0x84: {  	_ =	shalt  }
0x85: {  	_ =	shalt  }
0x86: {  	_ =	shalt  }
0x87: {  	_ =	shalt  }
.Lfunc_end0:
.L_simem_size_0:
called_computation_lowered:
.L_overlay_start_0:
0x88: {  	s2 =	sld [smem:$0x3FD9]  }
0x89: {  	s3 =	sld [smem:$0x3FFE];
	_ =	sdelay $0x1  }
0x8a: {  	s1 =	srdreg.scid  }
0x8b: {  	s0 =	sand.u32 $0x1, s1  }
0x8c: {  	s17 =	sshll.u32 s0, $0xA;
	s2 =	sadd.s32 s3, s2  }
0x8d: {  	s2 =	sadd.s32 s2, s17  }
0x8e: {  	[smem:$0x3FBA] =	sst s2  }
0x8f: {  	_ = 	snop  }
0x90: {  	s2 =	sld [smem:$0x3FC9]  }
0x91: {  	s18 =	sld [smem:$0x3FC8]  }
0x92: {  	s4 =	sld [smem:$0x3FD0];
	(tm) =	ssettm $0x1  }
0x93: {  	s5 =	sld [smem:$0x3FFB];
	_ =	sdelay $0x3  }
0x94: {  	_ =	strace s5  }
0x95: {  	s5 =	sld [smem:$0x3FFC];
	_ =	sdelay $0x3  }
0x96: {  	_ =	strace s5  }
0x97: {  	s5 =	sld [smem:$0x3FFD];
	_ =	sdelay $0x3  }
0x98: {  	_ =	strace s5  }
0x99: {  	_ =	strace $0x8FFFFFFF  }
0x9a: {  	s19 =	sld [smem:$0x3FDB];
	_ =	sdelay $0x1  }
0x9b: {  	s6 =	simm.s32 $_scs_section_size  }
0x9c: {  	s7 =	simm.s32 $_size__tile_overlayer_lowered;
	s8 =	simm.s32 $_tile_overlayer_lowered  }
0x9d: {  	s22 =	simm.s32 $0x1BFF;
	s21 =	sshll.u32 s8, $0x1;
	s5 =	sadd.s32 s6, s19  }
0x9e: {  	s9 =	simm.s32 $0x0;
	s20 =	sshll.u32 s7, $0x1;
	s7 =	sadd.s32 s21, s5  }
0x9f: {  	[timem:s9], [sflag:s22] =	dma.local [hbm:s7], s20  }
0xa0: {  	_ =	swait.ge [sflag:s22], s20  }
0xa1: {  	s6 =	ssub.s32 $0x0, s20;
	[sflag:s22] =	ssyncset.done $0x0  }
0xa2: {  	[sflag:s22] =	ssyncadd.s32 s6;
	_ =	sdelay $0x1  }
0xa3: {  	s23 =	simm.s32 $0x1B8B  }
0xa4: {  	_ =	swait.ge [sflag:s23], $0x1  }
0xa5: {  	[sflag:s23] =	ssyncset.done $0x0  }
0xa6: {  	s25 =	simm.s32 $0x1B8E;
	s24 =	sld [smem:$0x3FFE];
	[sflag:s23] =	ssyncadd.s32 $0xFFFFFFFF  }
0xa7: {  	s26 =	simm.s32 $execute0_lowered;
	[smem:$0x3FD2] =	sst s25  }
0xa8: {  	s7 =	sshll.u32 s26, $0x1;
	_ =	strace $0x80000046;
	[dreg:$0x1] =	wrdreg $0xFFFFFFFF  }
0xa9: {  	s28 =	simm.s32 $_size_execute0_lowered;
	s5 =	sadd.s32 s5, s7;
	[dreg:$0x0] =	wrdreg $0x0  }
0xaa: {  	s7 =	sshll.u32 s28, $0x1;
	[dreg:$0x2] =	wrdreg s5  }
0xab: {  	[dreg:$0x3] =	wrdreg s7  }
0xac: {  	[dreg:$0x4] =	wrdreg $0xC0  }
0xad: {  	_ =	task [dreg:s9], $0x5FFFF  }
0xae: {  	[dreg:$0x1] =	wrdreg $0xFFFFFFFF  }
0xaf: {  	[dreg:$0x0] =	wrdreg $0x60  }
0xb0: {  	[dreg:$0x2] =	wrdreg s2  }
0xb1: {  	[dreg:$0x3] =	wrdreg s18  }
0xb2: {  	[dreg:$0x4] =	wrdreg s24  }
0xb3: {  	[dreg:$0x5] =	wrdreg s4  }
0xb4: {  	[dreg:$0x6] =	wrdreg $0x104000  }
0xb5: {  	[dreg:$0x7] =	wrdreg $0x9  }
0xb6: {  	_ =	task.clear_ibuf [dreg:s9], $0x8FFFF;
	_ =	strace $0x90000046  }
0xb7: {  	s29 =	simm.s32 $0x9;
	_ =	strace $0x80000048  }
0xb8: {  	_ =	swait.ge [sflag:s29], $0x1  }
0xb9: {  	[sflag:s29] =	ssyncadd.s32 $0xFFFFFFFF  }
0xba: {  	_ =	strace $0x90000048  }
0xbb: {  	_ =	sfence  }
0xbc: {  	s30 =	sld [smem:$0x0];
	_ =	sdelay $0x2  }
0xbd: {  	s31 =	sshll.u32 s1, $0xD;
	s1 =	sshrl.u32 s1, $0x2  }
0xbe: {  	s3 =	sand.u32 $0x4000, s31;
	s1 =	sadd.s32 s1, s30  }
0xbf: {  	s0 =	sor.u32 s3, s0;
	s1 =	sshll.u32 s1, $0x11  }
0xc0: {  	s0 =	sor.u32 s1, s0  }
0xc1: {  	s0 =	sadd.s32 $0x8F2B, s0  }
0xc2: {  	[sflag:s0] =	ssyncadd.remote.s32 $0x1  }
0xc3: {  	_ =	sfence.sel $0xFFFF  }
0xc4: {  	[dreg:$0x0] =	wrdreg $0xFFFFFFFF;
	(pc) =	sbr.abs _section_cstart, $3  }
0xc5: {  	[dreg:$0x1] =	wrdreg $0xFFFFFFFF  }
0xc6: {  	_ =	task.clear_ibuf [dreg:s9], $0x2FFFF;
	_ =	strace $0x9FFFFFFF  }
0xc7: {  	(tm) =	ssettm $0x7FFFFFFF  }
tec
execute0_lowered:
.L_overlay_start_1:
0x0: {  	(tag) =	ssettag $0x1  }
0x1: {  	s11 =	rddreg [dreg:$0x0]  }
0x2: {  	s2 =	rddreg [dreg:$0x1]  }
0x3: {  	s3 =	rddreg [dreg:$0x2]  }
0x4: {  	s10 =	rddreg [dreg:$0x3]  }
0x5: {  	s1 =	rddreg [dreg:$0x4];
	s5 =	simm.s32 $0x0;
	s4 =	srdreg.scid  }
0x6: {  	s6 =	stileid.u32;
	[smem:$0x7FF] =	sst s5  }
0x7: {  	s13 =	sand.u32 $0x1, s4;
	s3 =	sadd.s32 $0x2200, s3;
	s12 =	sshrl.u32 s6, $0x1  }
0x8: {  	s7 =	sshll.u32 s6, $0x9;
	p0 =	sne.s32 s6, $0x0;
	s4 =	sshll.u32 s13, $0xC  }
0x9: {  	_ =	strace $0x80000047;
	s15 =	sshll.u32 s12, $0x4;
	s2 =	sadd.s32 s2, s4  }
0xa: {  	[dreg:$0x6] =	wrdreg s3;
	s14 =	sand.u32 $0x200, s7;
	s2 =	sadd.s32 s15, s2  }
0xb: {  	s3 =	sshrl.u32 @!p0 s1, $0x3;
	s7 =	rddreg [dreg:$0x6];
	s2 =	sadd.s32 s14, s2  }
0xc: {  	s4 =	simm.s32 @!p0 $0x1C09;
	[dreg:$0x7] =	wrdreg s2;
	s2 =	simm.s32 @!p0 $0x9  }
0xd: {  	[spmem:s3], [sflag:s4] =	dma.local @!p0 [hbm:s7], $0x800  }
0xe: {  	s8 =	simm.s32 $0x10000;
	_ =	swait.ge @!p0 [sflag:s2], $0x800  }
0xf: {  	s9 =	simm.s32 $0x9;
	s6 =	simm.s32 $0x80;
	[sflag:s2] =	ssyncset.done @!p0 $0x0  }
0x10: {  	s7 =	simm.s32 $0x400;
	s16 =	rddreg [dreg:$0x7];
	[sflag:s2] =	ssyncadd.s32 @!p0 $0xFFFFF800  }
0x11: {  	[tilespmem:s8], [sflag:$0x9] =	stream.strided.gather [hbm4b:s16+s6], $0x200, s7, s6, $0x38;
	[tilespmem:$0x10800] =	vst v63  }
0x12: {  	_ =	swait.ge [sflag:s9], $0x200  }
0x13: {  	[sflag:s9] =	ssyncset.done $0x0  }
0x14: {  	[sflag:s9] =	ssyncadd.s32 $0xFFFFFE00  }
0x15: {  	v1 =	vld [tilespmem:$0x101F0]  }
0x16: {  	v2 =	vld [tilespmem:$0x101E0]  }
0x17: {  	v5 =	vld [tilespmem:$0x101C0]  }
0x18: {  	v6 =	vld [tilespmem:$0x101B0]  }
0x19: {  	v0 =	vmov s15;
	v7 =	vld [tilespmem:$0x10190]  }
0x1a: {  	v3 =	vld [tilespmem:$0x10160];
	v1 =	vadd.s32 v0, v1  }
0x1b: {  	v4 =	vld [tilespmem:$0x101D0];
	v2 =	vadd.s32 v0, v2;
	[tilespmem:$0x103F0] =	vst v1  }
0x1c: {  	v60 =	vld [tilespmem:$0x10020];
	v5 =	vadd.s32 v0, v5;
	[tilespmem:$0x103E0] =	vst v2  }
0x1d: {  	v50 =	vld [tilespmem:$0x10140];
	v6 =	vadd.s32 v0, v6;
	[tilespmem:$0x103C0] =	vst v5  }
0x1e: {  	v51 =	vld [tilespmem:$0x10130];
	v7 =	vadd.s32 v0, v7;
	[tilespmem:$0x103B0] =	vst v6  }
0x1f: {  	v1 =	vadd.s32 v0, v3;
	v3 =	vld [tilespmem:$0x10180];
	[tilespmem:$0x10390] =	vst v7  }
0x20: {  	v2 =	vadd.s32 v0, v4;
	[tilespmem:$0x10360] =	vst v1;
	v1 =	vld [tilespmem:$0x10170]  }
0x21: {  	v63 =	vadd.s32 v0, v60;
	[tilespmem:$0x103D0] =	vst v2;
	v2 =	vld [tilespmem:$0x10150]  }
0x22: {  	v49 =	vld [tilespmem:$0x100E0];
	v5 =	vadd.s32 v0, v50;
	[tilespmem:$0x10220] =	vst v63  }
0x23: {  	v52 =	vld [tilespmem:$0x10110];
	v6 =	vadd.s32 v0, v51;
	[tilespmem:$0x10340] =	vst v5  }
0x24: {  	v53 =	vld [tilespmem:$0x10100];
	[tilespmem:$0x10330] =	vst v6;
	v3 =	vadd.s32 v0, v3  }
0x25: {  	v54 =	vld [tilespmem:$0x100C0];
	v1 =	vadd.s32 v0, v1;
	[tilespmem:$0x10380] =	vst v3  }
0x26: {  	v2 =	vadd.s32 v0, v2;
	[tilespmem:$0x10370] =	vst v1;
	v1 =	vld [tilespmem:$0x100F0]  }
0x27: {  	v3 =	vadd.s32 v0, v49;
	[tilespmem:$0x10350] =	vst v2;
	v2 =	vld [tilespmem:$0x100D0]  }
0x28: {  	v7 =	vadd.s32 v0, v52;
	[tilespmem:$0x102E0] =	vst v3;
	v3 =	vld [tilespmem:$0x10030]  }
0x29: {  	v55 =	vld [tilespmem:$0x100B0];
	v4 =	vadd.s32 v0, v53;
	[tilespmem:$0x10310] =	vst v7  }
0x2a: {  	v56 =	vld [tilespmem:$0x100A0];
	[tilespmem:$0x10300] =	vst v4;
	v5 =	vadd.s32 v0, v54  }
0x2b: {  	v57 =	vld [tilespmem:$0x10090];
	[tilespmem:$0x102C0] =	vst v5;
	v1 =	vadd.s32 v0, v1  }
0x2c: {  	v2 =	vadd.s32 v0, v2;
	[tilespmem:$0x102F0] =	vst v1;
	v1 =	vld [tilespmem:$0x10080]  }
0x2d: {  	v3 =	vadd.s32 v0, v3;
	[tilespmem:$0x102D0] =	vst v2;
	v2 =	vld [tilespmem:$0x10050]  }
0x2e: {  	v6 =	vadd.s32 v0, v55;
	[tilespmem:$0x10230] =	vst v3;
	v3 =	vld [tilespmem:$0x10060]  }
0x2f: {  	v58 =	vld [tilespmem:$0x10040];
	v7 =	vadd.s32 v0, v56;
	[tilespmem:$0x102B0] =	vst v6  }
0x30: {  	v59 =	vld [tilespmem:$0x101A0];
	v4 =	vadd.s32 v0, v57;
	[tilespmem:$0x102A0] =	vst v7  }
0x31: {  	v61 =	vld [tilespmem:$0x10010];
	[tilespmem:$0x10290] =	vst v4;
	v1 =	vadd.s32 v0, v1  }
0x32: {  	[tilespmem:$0x10280] =	vst v1;
	v1 =	vadd.s32 v0, v2;
	v2 =	vld [tilespmem:$0x10120]  }
0x33: {  	v3 =	vadd.s32 v0, v3;
	[tilespmem:$0x10250] =	vst v1;
	v1 =	vld [tilespmem:$0x10070]  }
0x34: {  	s28 =	simm.s32 $0x1;
	s29 =	simm.s32 $0x10200;
	v62 =	vld [tilespmem:$0x10000];
	[tilespmem:$0x10260] =	vst v3;
	v3 =	vadd.s32 v0, v58  }
0x35: {  	s21 =	simm.s32 $0x3;
	s30 =	simm.s32 $0x10380;
	s20 =	simm.s32 $0x6;
	[tilespmem:$0x10240] =	vst v3;
	v3 =	vadd.s32 v0, v59  }
0x36: {  	s19 =	simm.s32 $0x7;
	s22 =	sshll.u32 s13, $0x13;
	s12 =	sshll.u32 s12, $0x10;
	[tilespmem:$0x103A0] =	vst v3;
	v3 =	vadd.s32 v0, v61  }
0x37: {  	s23 =	ssub.s32 $0x2, s13;
	s13 =	sshll.u32 s13, $0xB;
	s12 =	sor.u32 s22, s12;
	[tilespmem:$0x10210] =	vst v3;
	v2 =	vadd.s32 v0, v2  }
0x38: {  	s24 =	sshrl.u32 s23, $0x1;
	s10 =	sadd.s32 s10, s13;
	s13 =	simm.s32 $0x8000;
	v1 =	vadd.s32 v0, v1;
	[tilespmem:$0x10320] =	vst v2  }
0x39: {  	s22 =	simm.s32 $0x4;
	s25 =	ssub.s32 s23, s24;
	s14 =	sshll.u32 s14, $0x4;
	v2 =	vadd.s32 v0, v62;
	[tilespmem:$0x10270] =	vst v1  }
0x3a: {  	s23 =	simm.s32 $0x2;
	s26 =	smax.u32 s25, $0x1;
	s12 =	sor.u32 s14, s12;
	[tilespmem:$0x10200] =	vst v2  }
0x3b: {  	s31 =	sadd.s32 $0xFFFFFFFF, s26;
	s12 =	sadd.s32 s11, s12;
	[bflag:$0x0] =	sbarrier.arrive $0xFFFF  }
0x3c: {  	[tilespmem:s5], [sflag:$0x1] =	stream.linear.gather [hbm4b:s12+s5], $0x4000, $0x38;
	[tilespmem:$0x10800] =	vst v63  }
0x3d: {  	s14 =	simm.s32 $0x4000;
	p1 =	sne.s32 s31, $0x0;
	s15 =	sadd.s32 $0x800, s12  }
0x3e: {  	[tilespmem:s14], [sflag:$0x2] =	stream.linear.gather [hbm4b:s15+s5], $0x4000, $0x38;
	[tilespmem:$0x10800] =	vst v63  }
.Ltmp0:
0x3f: {  	s24 =	simm.s32 $0x5;
	s17 =	sadd.s32 $0x1000, s12;
	(pc) =	sbr.rel @!p1 .LBB2_2-.Ltmp0, $4  }
0x40: {  	[tilespmem:s13], [sflag:$0x3] =	stream.linear.gather [hbm4b:s17+s5], $0x4000, $0x38;
	[tilespmem:$0x10800] =	vst v63  }
0x41: {  	s25 =	simm.s32 $0x10280;
	s11 =	simm.s32 $0xC000;
	s18 =	sadd.s32 $0x1800, s12  }
0x42: {  	[tilespmem:s11], [sflag:$0x4] =	stream.linear.gather [hbm4b:s18+s5], $0x4000, $0x38;
	[tilespmem:$0x10800] =	vst v63  }
0x43: {  	s26 =	simm.s32 $0x10300;
	s16 =	simm.s32 $0x8;
	_ =	swait.ge [sflag:s28], $0x4000  }
.LBB2_1:
0x44: {  	[sflag:s28] =	ssyncset.done $0x0  }
0x45: {  	[sflag:s28] =	ssyncadd.s32 $0xFFFFC000  }
0x46: {  	[spmem:s1] =	stream.indirect.scatter.add.f32 [tilespmem:s5], [sflag:$0x5], $0x80, s29, s6, $0xb8;
	[tilespmem:$0x10800] =	vst v63  }
0x47: {  	_ =	swait.ge [sflag:s23], $0x4000  }
0x48: {  	[sflag:s23] =	ssyncset.done $0x0  }
0x49: {  	[sflag:s23] =	ssyncadd.s32 $0xFFFFC000  }
0x4a: {  	[spmem:s1] =	stream.indirect.scatter.add.f32 [tilespmem:s14], [sflag:$0x6], $0x80, s25, s6, $0xb8;
	[tilespmem:$0x10800] =	vst v63  }
0x4b: {  	_ =	swait.ge [sflag:s21], $0x4000  }
0x4c: {  	[sflag:s21] =	ssyncset.done $0x0  }
0x4d: {  	[sflag:s21] =	ssyncadd.s32 $0xFFFFC000  }
0x4e: {  	[spmem:s1] =	stream.indirect.scatter.add.f32 [tilespmem:s13], [sflag:$0x7], $0x80, s26, s6, $0xb8;
	[tilespmem:$0x10800] =	vst v63  }
0x4f: {  	_ =	swait.ge [sflag:s22], $0x4000  }
0x50: {  	[sflag:s22] =	ssyncset.done $0x0  }
0x51: {  	[sflag:s22] =	ssyncadd.s32 $0xFFFFC000  }
0x52: {  	[spmem:s1] =	stream.indirect.scatter.add.f32 [tilespmem:s11], [sflag:$0x8], $0x80, s30, s6, $0xb8;
	[tilespmem:$0x10800] =	vst v63  }
0x53: {  	_ =	swait.ge [sflag:s24], $0x4000  }
0x54: {  	[sflag:s24] =	ssyncset.done $0x0  }
0x55: {  	[sflag:s24] =	ssyncadd.s32 $0xFFFFC000  }
0x56: {  	_ =	swait.ge [sflag:s20], $0x4000  }
0x57: {  	[sflag:s20] =	ssyncset.done $0x0  }
0x58: {  	[sflag:s20] =	ssyncadd.s32 $0xFFFFC000  }
0x59: {  	_ =	swait.ge [sflag:s19], $0x4000  }
0x5a: {  	[sflag:s19] =	ssyncset.done $0x0  }
0x5b: {  	[sflag:s19] =	ssyncadd.s32 $0xFFFFC000  }
0x5c: {  	_ =	swait.ge [sflag:s16], $0x4000  }
0x5d: {  	[sflag:s16] =	ssyncset.done $0x0  }
0x5e: {  	[sflag:s16] =	ssyncadd.s32 $0xFFFFC000  }
0x5f: {  	[bflag:$0x0] =	sbarrier.arrive $0xFFFF  }
0x60: {  	[hbm:s10], [sflag:s4] =	dma.local @!p0 [spmem:s3], $0x800  }
0x61: {  	_ =	swait.ge @!p0 [sflag:s2], $0x800  }
0x62: {  	[sflag:s2] =	ssyncset.done @!p0 $0x0  }
0x63: {  	s0 =	rddreg [dreg:$0x6];
	[sflag:s2] =	ssyncadd.s32 @!p0 $0xFFFFF800  }
0x64: {  	[spmem:s3], [sflag:s4] =	dma.local @!p0 [hbm:s0], $0x800  }
0x65: {  	_ =	swait.ge @!p0 [sflag:s2], $0x800  }
0x66: {  	[sflag:s2] =	ssyncset.done @!p0 $0x0  }
0x67: {  	s0 =	rddreg [dreg:$0x7];
	[sflag:s2] =	ssyncadd.s32 @!p0 $0xFFFFF800  }
0x68: {  	[tilespmem:s8], [sflag:$0x9] =	stream.strided.gather [hbm4b:s0+s6], $0x200, s7, s6, $0x38;
	[tilespmem:$0x10800] =	vst v63  }
0x69: {  	_ =	swait.ge [sflag:s9], $0x200  }
0x6a: {  	[sflag:s9] =	ssyncset.done $0x0  }
0x6b: {  	[sflag:s9] =	ssyncadd.s32 $0xFFFFFE00  }
0x6c: {  	v1 =	vld [tilespmem:$0x101F0]  }
0x6d: {  	v2 =	vld [tilespmem:$0x101E0]  }
0x6e: {  	v5 =	vld [tilespmem:$0x101C0]  }
0x6f: {  	v6 =	vld [tilespmem:$0x101B0]  }
0x70: {  	v7 =	vld [tilespmem:$0x10190]  }
0x71: {  	v3 =	vld [tilespmem:$0x10160];
	v1 =	vadd.s32 v0, v1  }
0x72: {  	v4 =	vld [tilespmem:$0x101D0];
	v2 =	vadd.s32 v0, v2;
	[tilespmem:$0x103F0] =	vst v1  }
0x73: {  	v60 =	vld [tilespmem:$0x10020];
	v5 =	vadd.s32 v0, v5;
	[tilespmem:$0x103E0] =	vst v2  }
0x74: {  	v50 =	vld [tilespmem:$0x10140];
	v6 =	vadd.s32 v0, v6;
	[tilespmem:$0x103C0] =	vst v5  }
0x75: {  	v51 =	vld [tilespmem:$0x10130];
	v7 =	vadd.s32 v0, v7;
	[tilespmem:$0x103B0] =	vst v6  }
0x76: {  	v1 =	vadd.s32 v0, v3;
	v3 =	vld [tilespmem:$0x10180];
	[tilespmem:$0x10390] =	vst v7  }
0x77: {  	v2 =	vadd.s32 v0, v4;
	[tilespmem:$0x10360] =	vst v1;
	v1 =	vld [tilespmem:$0x10170]  }
0x78: {  	v63 =	vadd.s32 v0, v60;
	[tilespmem:$0x103D0] =	vst v2;
	v2 =	vld [tilespmem:$0x10150]  }
0x79: {  	v49 =	vld [tilespmem:$0x100E0];
	v5 =	vadd.s32 v0, v50;
	[tilespmem:$0x10220] =	vst v63  }
0x7a: {  	v52 =	vld [tilespmem:$0x10110];
	v6 =	vadd.s32 v0, v51;
	[tilespmem:$0x10340] =	vst v5  }
0x7b: {  	v53 =	vld [tilespmem:$0x10100];
	[tilespmem:$0x10330] =	vst v6;
	v3 =	vadd.s32 v0, v3  }
0x7c: {  	v54 =	vld [tilespmem:$0x100C0];
	v1 =	vadd.s32 v0, v1;
	[tilespmem:$0x10380] =	vst v3  }
0x7d: {  	v2 =	vadd.s32 v0, v2;
	[tilespmem:$0x10370] =	vst v1;
	v1 =	vld [tilespmem:$0x100F0]  }
0x7e: {  	v3 =	vadd.s32 v0, v49;
	[tilespmem:$0x10350] =	vst v2;
	v2 =	vld [tilespmem:$0x100D0]  }
0x7f: {  	v7 =	vadd.s32 v0, v52;
	[tilespmem:$0x102E0] =	vst v3;
	v3 =	vld [tilespmem:$0x10030]  }
0x80: {  	v55 =	vld [tilespmem:$0x100B0];
	v4 =	vadd.s32 v0, v53;
	[tilespmem:$0x10310] =	vst v7  }
0x81: {  	v56 =	vld [tilespmem:$0x100A0];
	[tilespmem:$0x10300] =	vst v4;
	v5 =	vadd.s32 v0, v54  }
0x82: {  	v57 =	vld [tilespmem:$0x10090];
	[tilespmem:$0x102C0] =	vst v5;
	v1 =	vadd.s32 v0, v1  }
0x83: {  	v2 =	vadd.s32 v0, v2;
	[tilespmem:$0x102F0] =	vst v1;
	v1 =	vld [tilespmem:$0x10080]  }
0x84: {  	v3 =	vadd.s32 v0, v3;
	[tilespmem:$0x102D0] =	vst v2;
	v2 =	vld [tilespmem:$0x10050]  }
0x85: {  	v6 =	vadd.s32 v0, v55;
	[tilespmem:$0x10230] =	vst v3;
	v3 =	vld [tilespmem:$0x10060]  }
0x86: {  	v58 =	vld [tilespmem:$0x10040];
	v7 =	vadd.s32 v0, v56;
	[tilespmem:$0x102B0] =	vst v6  }
0x87: {  	v59 =	vld [tilespmem:$0x101A0];
	v4 =	vadd.s32 v0, v57;
	[tilespmem:$0x102A0] =	vst v7  }
0x88: {  	v61 =	vld [tilespmem:$0x10010];
	[tilespmem:$0x10290] =	vst v4;
	v1 =	vadd.s32 v0, v1  }
0x89: {  	[tilespmem:$0x10280] =	vst v1;
	v1 =	vadd.s32 v0, v2;
	v2 =	vld [tilespmem:$0x10120]  }
0x8a: {  	v3 =	vadd.s32 v0, v3;
	[tilespmem:$0x10250] =	vst v1;
	v1 =	vld [tilespmem:$0x10070]  }
0x8b: {  	v62 =	vld [tilespmem:$0x10000];
	[tilespmem:$0x10260] =	vst v3;
	v3 =	vadd.s32 v0, v58  }
0x8c: {  	[tilespmem:$0x10240] =	vst v3;
	v3 =	vadd.s32 v0, v59  }
0x8d: {  	[tilespmem:$0x103A0] =	vst v3;
	v3 =	vadd.s32 v0, v61  }
0x8e: {  	[tilespmem:$0x10210] =	vst v3;
	v2 =	vadd.s32 v0, v2  }
0x8f: {  	v1 =	vadd.s32 v0, v1;
	[tilespmem:$0x10320] =	vst v2  }
0x90: {  	v2 =	vadd.s32 v0, v62;
	[tilespmem:$0x10270] =	vst v1  }
0x91: {  	[tilespmem:$0x10200] =	vst v2  }
0x92: {  	s31 =	sadd.s32 $0xFFFFFFFF, s31;
	[bflag:$0x0] =	sbarrier.arrive $0xFFFF  }
0x93: {  	[tilespmem:s5], [sflag:$0x1] =	stream.linear.gather [hbm4b:s12+s5], $0x4000, $0x38;
	[tilespmem:$0x10800] =	vst v63  }
0x94: {  	p1 =	sne.s32 s31, $0x0  }
0x95: {  	[tilespmem:s14], [sflag:$0x2] =	stream.linear.gather [hbm4b:s15+s5], $0x4000, $0x38;
	[tilespmem:$0x10800] =	vst v63  }
.Ltmp1:
0x96: {  	_ = 	snop;
	(pc) =	sbr.rel @p1 .LBB2_1-.Ltmp1, $4  }
0x97: {  	[tilespmem:s13], [sflag:$0x3] =	stream.linear.gather [hbm4b:s17+s5], $0x4000, $0x38;
	[tilespmem:$0x10800] =	vst v63  }
0x98: {  	_ = 	snop  }
0x99: {  	[tilespmem:s11], [sflag:$0x4] =	stream.linear.gather [hbm4b:s18+s5], $0x4000, $0x38;
	[tilespmem:$0x10800] =	vst v63  }
0x9a: {  	_ =	swait.ge [sflag:s28], $0x4000  }
.LBB2_2:
0x9b: {  	[sflag:s28] =	ssyncset.done $0x0  }
0x9c: {  	[sflag:s28] =	ssyncadd.s32 $0xFFFFC000  }
0x9d: {  	[spmem:s1] =	stream.indirect.scatter.add.f32 [tilespmem:s5], [sflag:$0x5], $0x80, s29, s6, $0xb8;
	[tilespmem:$0x10800] =	vst v63  }
0x9e: {  	_ =	swait.ge [sflag:s23], $0x4000  }
0x9f: {  	[sflag:s23] =	ssyncset.done $0x0  }
0xa0: {  	[sflag:s23] =	ssyncadd.s32 $0xFFFFC000  }
0xa1: {  	[spmem:s1] =	stream.indirect.scatter.add.f32 [tilespmem:s14], [sflag:$0x6], $0x80, s25, s6, $0xb8;
	[tilespmem:$0x10800] =	vst v63  }
0xa2: {  	_ =	swait.ge [sflag:s21], $0x4000  }
0xa3: {  	[sflag:s21] =	ssyncset.done $0x0  }
0xa4: {  	[sflag:s21] =	ssyncadd.s32 $0xFFFFC000  }
0xa5: {  	[spmem:s1] =	stream.indirect.scatter.add.f32 [tilespmem:s13], [sflag:$0x7], $0x80, s26, s6, $0xb8;
	[tilespmem:$0x10800] =	vst v63  }
0xa6: {  	_ =	swait.ge [sflag:s22], $0x4000  }
0xa7: {  	[sflag:s22] =	ssyncset.done $0x0  }
0xa8: {  	[sflag:s22] =	ssyncadd.s32 $0xFFFFC000  }
0xa9: {  	[spmem:s1] =	stream.indirect.scatter.add.f32 [tilespmem:s11], [sflag:$0x8], $0x80, s30, s6, $0xb8;
	[tilespmem:$0x10800] =	vst v63  }
0xaa: {  	_ =	swait.ge [sflag:s24], $0x4000  }
0xab: {  	[sflag:s24] =	ssyncset.done $0x0  }
0xac: {  	[sflag:s24] =	ssyncadd.s32 $0xFFFFC000  }
0xad: {  	_ =	swait.ge [sflag:s20], $0x4000  }
0xae: {  	[sflag:s20] =	ssyncset.done $0x0  }
0xaf: {  	[sflag:s20] =	ssyncadd.s32 $0xFFFFC000  }
0xb0: {  	_ =	swait.ge [sflag:s19], $0x4000  }
0xb1: {  	[sflag:s19] =	ssyncset.done $0x0  }
0xb2: {  	[sflag:s19] =	ssyncadd.s32 $0xFFFFC000  }
0xb3: {  	_ =	swait.ge [sflag:s16], $0x4000  }
0xb4: {  	[sflag:s16] =	ssyncset.done $0x0  }
0xb5: {  	[sflag:s16] =	ssyncadd.s32 $0xFFFFC000  }
0xb6: {  	[bflag:$0x0] =	sbarrier.arrive $0xFFFF  }
0xb7: {  	[hbm:s10], [sflag:s4] =	dma.local @!p0 [spmem:s3], $0x800  }
0xb8: {  	_ =	swait.ge @!p0 [sflag:s2], $0x800  }
0xb9: {  	[sflag:s2] =	ssyncset.done @!p0 $0x0  }
0xba: {  	[sflag:s2] =	ssyncadd.s32 @!p0 $0xFFFFF800  }
0xbb: {  	_ =	sfence.sel $0x180000  }
0xbc: {  	[bflag:$0x0] =	sbarrier.arrive $0xFFFF  }
0xbd: {  	_ =	strace $0x90000047  }
0xbe: {  	[bflag:$0x2] =	sbarrier.arrive $0xFFFF  }
0xbf: {  	s0 =	rddreg [dreg:$0x5]  }
0xc0: {  	s0 =	sadd.s32 @!p0 $0x100000, s0  }
0xc1: {  	[sflag:s0] =	ssyncadd.tile.s32 @!p0 $0x1;
	_ =	shalt  }
.Lfunc_end2:
_tile_overlayer_lowered:
.L_overlay_start_2:
0xc2: {  	(tag) =	ssettag $0x2  }
0xc3: {  	s0 =	rddreg [dreg:$0x0];
	s2 =	stileid.u32  }
0xc4: {  	s1 =	rddreg [dreg:$0x1];
	p0 =	sne.s32 s2, $0x0  }
0xc5: {  	s3 =	rddreg [dreg:$0x2];
	[bflag:$0x3] =	sbarrier.arrive $0xFFFF;
	s2 =	simm.s32 @!p0 $0x1C09  }
0xc6: {  	[timem:s3], [sflag:s2] =	dma.local @!p0 [hbm:s0], s1  }
0xc7: {  	s0 =	simm.s32 @!p0 $0x9  }
0xc8: {  	_ =	swait.ge @!p0 [sflag:s0], s1  }
0xc9: {  	s1 =	ssub.s32 @!p0 $0x0, s1;
	[sflag:s0] =	ssyncset.done @!p0 $0x0  }
0xca: {  	[sflag:s0] =	ssyncadd.s32 @!p0 s1  }
0xcb: {  	[bflag:$0x3] =	sbarrier.arrive $0xFFFF  }
0xcc: {  	_ =	shalt  }

</sc_bundles>
